<compile_context>
chip_gen: v7x
topology: tpu7x:2x2x1
jax: 0.10.2.dev20260603
libtpu: 0.0.44.dev20260713+nightly
codegen_flags: <defaults>
</compile_context>

<pallas_src>
import functools

import jax
import jax.numpy as jnp
from jax import lax
from jax.experimental import pallas as pl
from jax.experimental.pallas import tpu as pltpu
from jax.experimental.pallas import tpu_sc as plsc

L = 16
NC, NS = 2, 16
NW = NC * NS
R = 16


def _vtake(x, idx):
    dnums = lax.GatherDimensionNumbers(
        offset_dims=(), collapsed_slice_dims=(0,), start_index_map=(0,)
    )
    return lax.gather(
        x, idx[:, None], dnums, (1,),
        mode=lax.GatherScatterMode.PROMISE_IN_BOUNDS,
    )


def _sampler(N, S, NI):
    SM = S - 1
    NCHUNK = S // L
    NU = NI // L
    RPW = N // NW
    NBLK = RPW // R

    mesh = plsc.VectorSubcoreMesh(
        core_axis_name="c", subcore_axis_name="s", num_cores=NC, num_subcores=NS
    )

    @functools.partial(
        pl.kernel,
        out_type=jax.ShapeDtypeStruct((N, NI), jnp.float32),
        mesh=mesh,
        compiler_params=pltpu.CompilerParams(needs_layout_passes=False),
        scratch_types=[
            pltpu.VMEM((R, S), jnp.float32),
            pltpu.VMEM((R, S), jnp.float32),
            pltpu.VMEM((R, NI), jnp.float32),
            pltpu.VMEM((R, NI), jnp.float32),
            pltpu.VMEM((S,), jnp.float32),
            pltpu.VMEM((S,), jnp.float32),
        ],
    )
    def body(z_hbm, w_hbm, u_hbm, out_hbm, zb, wb, ub, ob, cdf, zmid):
        wid = lax.axis_index("s") * NC + lax.axis_index("c")
        base0 = wid * RPW
        lane = lax.iota(jnp.int32, L)
        rot1 = (lane + 1) & (L - 1)

        def ray_body(r, _):
            carry = jnp.zeros((L,), jnp.float32)
            for c in range(NCHUNK):
                wv = wb[r, pl.ds(c * L, L)] + 1e-5
                if c == 0:
                    wv = jnp.where(lane >= 1, wv, 0.0)
                if c == NCHUNK - 1:
                    wv = jnp.where(lane <= L - 2, wv, 0.0)
                sc = plsc.cumsum(wv) + carry
                cdf[pl.ds(c * L, L)] = sc
                carry = _vtake(sc, jnp.full((L,), L - 1, jnp.int32))
            total = carry
            inv_total = 1.0 / total
            thresh = 1e-5 * total

            for c in range(NCHUNK):
                a = zb[r, pl.ds(c * L, L)]
                if c < NCHUNK - 1:
                    b = zb[r, pl.ds(c * L + 1, L)]
                else:
                    b = _vtake(a, rot1)
                zmid[pl.ds(c * L, L)] = 0.5 * (a + b)

            for k in range(NU):
                tv = ub[r, pl.ds(k * L, L)] * total
                lo = jnp.zeros((L,), jnp.int32)
                hi = jnp.full((L,), SM, jnp.int32)
                for _ in range(8):
                    mid = lax.shift_right_logical(lo + hi, 1)
                    cm = plsc.load_gather(cdf, [mid])
                    m = cm <= tv
                    lo = jnp.where(m, mid, lo)
                    hi = jnp.where(m, hi, mid)
                above = jnp.minimum(hi, SM - 1)
                g0 = plsc.load_gather(cdf, [lo])
                g1 = plsc.load_gather(cdf, [above])
                b0 = plsc.load_gather(zmid, [lo])
                b1 = plsc.load_gather(zmid, [above])
                num = tv - g0
                d = g1 - g0
                t = jnp.where(d < thresh, num * inv_total, num / d)
                ob[r, pl.ds(k * L, L)] = b0 + t * (b1 - b0)
            return 0

        def block_body(blk, _):
            base = base0 + blk * R
            pltpu.sync_copy(z_hbm.at[pl.ds(base, R)], zb)
            pltpu.sync_copy(w_hbm.at[pl.ds(base, R)], wb)
            pltpu.sync_copy(u_hbm.at[pl.ds(base, R)], ub)
            lax.fori_loop(0, R, ray_body, 0, unroll=False)
            pltpu.sync_copy(ob, out_hbm.at[pl.ds(base, R)])
            return 0

        lax.fori_loop(0, NBLK, block_body, 0, unroll=False)

    return body


def kernel(rays_o, rays_d, z_vals, weights, u, num_importance):
    del rays_o, rays_d, num_importance
    N, S = weights.shape
    NI = u.shape[1]
    return _sampler(N, S, NI)(z_vals, weights, u)

# --- scband reference (transcript-rebuilt; emitter-appended) ---
"""Pipeline reference for scband-photogrammetric-renderer-11587821765190 (READ-ONLY COPY).

The authoritative reference and input builder live on the scoring server;
editing this copy changes nothing except your own understanding.
"""

import jax, jax.numpy as jnp
import numpy as np


def setup_inputs(seed: int = 0) -> dict:
    key = jax.random.key(seed)
    k1, k2, k3, k4, k5 = jax.random.split(key, 5)
    N, S, NI = 65536, 192, 96
    rays_o = jax.random.normal(k1, (N, 3), dtype=jnp.float32)
    rays_d = jax.random.normal(k2, (N, 3), dtype=jnp.float32)
    near, far = 0.1, 1000.0
    t = jnp.sort(jax.random.uniform(k3, (N, S), dtype=jnp.float32), axis=-1)
    z_vals = 1.0 / (1.0 / near * (1.0 - t) + 1.0 / far * t)
    weights = jax.random.uniform(k4, (N, S), dtype=jnp.float32)
    # u replaces torch.rand(...) inside hierarchical_sample so the op is deterministic
    u = jax.random.uniform(k5, (N, NI), dtype=jnp.float32)
    return {"rays_o": rays_o, "rays_d": rays_d, "z_vals": z_vals, "weights": weights, "u": u, "num_importance": NI}


def reference(rays_o, rays_d, z_vals, weights, u, num_importance):
    # Faithful JAX port of PhotogrammetricRenderer.hierarchical_sample
    z_vals_mid = 0.5 * (z_vals[..., :-1] + z_vals[..., 1:])
    w = weights[..., 1:-1]
    w = w + 1e-05
    pdf = w / jnp.sum(w, axis=-1, keepdims=True)
    cdf = jnp.cumsum(pdf, axis=-1)
    cdf = jnp.concatenate([jnp.zeros_like(cdf[..., :1]), cdf], axis=-1)
    inds = jax.vmap(lambda c, uu: jnp.searchsorted(c, uu, side='right'))(cdf, u)
    below = jnp.clip(inds - 1, 0, cdf.shape[-1] - 1)
    above = jnp.clip(inds, 0, cdf.shape[-1] - 1)
    cdf_g0 = jnp.take_along_axis(cdf, below, axis=-1)
    cdf_g1 = jnp.take_along_axis(cdf, above, axis=-1)
    bins_g0 = jnp.take_along_axis(z_vals_mid, below, axis=-1)
    bins_g1 = jnp.take_along_axis(z_vals_mid, above, axis=-1)
    denom = cdf_g1 - cdf_g0
    denom = jnp.where(denom < 1e-05, jnp.ones_like(denom), denom)
    t = (u - cdf_g0) / denom
    samples = bins_g0 + t * (bins_g1 - bins_g0)
    return samples

if __name__ == "__main__":
    import jax
    _d = setup_inputs()
    print(jax.jit(kernel)(*tuple(_d.values())))

</pallas_src>

<mosaic_0001>
#map = affine_map<(d0, d1) -> (0, 0)>
module attributes {stable_mosaic.version = 14 : i64} {
  func.func @body(%arg0: i32, %arg1: i32, %arg2: memref<65536x192xf32, #tpu.memory_space<hbm>>, %arg3: memref<65536x192xf32, #tpu.memory_space<hbm>>, %arg4: memref<65536x96xf32, #tpu.memory_space<hbm>>, %arg5: memref<65536x96xf32, #tpu.memory_space<hbm>>, %arg6: memref<16x192xf32, #tpu.memory_space<vmem>>, %arg7: memref<16x192xf32, #tpu.memory_space<vmem>>, %arg8: memref<16x96xf32, #tpu.memory_space<vmem>>, %arg9: memref<16x96xf32, #tpu.memory_space<vmem>>, %arg10: memref<192xf32, #tpu.memory_space<vmem>>, %arg11: memref<192xf32, #tpu.memory_space<vmem>>) attributes {dimension_semantics = [#tpu.dimension_semantics<core_parallel>, #tpu.dimension_semantics<subcore_parallel>], iteration_bounds = array<i64: 2, 16>, scalar_prefetch = 0 : i64, scratch_operands = 6 : i64, tpu.core_type = #tpu.core_type<sc_vector_subcore>, window_params = [{transform_indices = #map}, {transform_indices = #map}, {transform_indices = #map}, {transform_indices = #map}]} {
    %mul3A = arith.constant 2 : i32
    %mul3A_0 = arith.muli %arg1, %mul3A : i32
    %add3A = arith.addi %mul3A_0, %arg0 : i32
    %mul3A_1 = arith.constant 2048 : i32
    %mul3A_2 = arith.muli %add3A, %mul3A_1 : i32
    %iota3A = tpu.iota {dimensions = array<i32: 0>} : vector<16xi32>
    %add3A_3 = arith.constant 1 : i32
    %add3A_4 = vector.broadcast %add3A_3 : i32 to vector<16xi32>
    %add3A_5 = arith.addi %iota3A, %add3A_4 : vector<16xi32>
    %and3A = arith.constant 15 : i32
    %and3A_6 = vector.broadcast %and3A : i32 to vector<16xi32>
    %and3A_7 = arith.andi %add3A_5, %and3A_6 : vector<16xi32>
    %scan3A = arith.constant 0 : i32
    %scan3A_8 = arith.constant 0 : i32
    %scan3A_9 = arith.constant 128 : i32
    %scan3A_10 = arith.addi %scan3A_8, %scan3A_9 : i32
    %scan3A_11 = arith.constant 1 : i32
    %scan3A_12 = scf.for %scan3A_14 = %scan3A_8 to %scan3A_10 step %scan3A_11 iter_args(%scan3A_15 = %scan3A) -> (i32)  : i32 {
      %mul3A_16 = arith.constant 16 : i32
      %mul3A_17 = arith.muli %scan3A_14, %mul3A_16 : i32
      %add3A_18 = arith.addi %mul3A_2, %mul3A_17 : i32
      "tpu.region"() ({
        %run_scoped3A = tpu.sem_alloc : memref<!tpu.dma_semaphore, #tpu.memory_space<semaphore_mem>>
        %dma_start3A = arith.constant 0 : i32
        %dma_start3A_27 = tpu.memref_slice %arg2[%add3A_18, %dma_start3A] : memref<65536x192xf32, #tpu.memory_space<hbm>> -> memref<16x192xf32, #tpu.memory_space<hbm>>
        %dma_start3A_28 = arith.constant 0 : i32
        %dma_start3A_29 = tpu.memref_slice %arg2[%add3A_18, %dma_start3A_28] : memref<65536x192xf32, #tpu.memory_space<hbm>> -> memref<16x192xf32, #tpu.memory_space<hbm>>
        tpu.enqueue_dma source(%dma_start3A_29 : memref<16x192xf32, #tpu.memory_space<hbm>>) target(%arg6 : memref<16x192xf32, #tpu.memory_space<vmem>>) target_semaphore(%run_scoped3A : memref<!tpu.dma_semaphore, #tpu.memory_space<semaphore_mem>>)
        %dma_wait3A = arith.constant 0 : i32
        %dma_wait3A_30 = tpu.memref_slice %arg2[%add3A_18, %dma_wait3A] : memref<65536x192xf32, #tpu.memory_space<hbm>> -> memref<16x192xf32, #tpu.memory_space<hbm>>
        %dma_wait3A_31 = arith.constant 0 : i32
        %dma_wait3A_32 = tpu.memref_slice %arg2[%add3A_18, %dma_wait3A_31] : memref<65536x192xf32, #tpu.memory_space<hbm>> -> memref<16x192xf32, #tpu.memory_space<hbm>>
        tpu.wait_dma2 semaphore(%run_scoped3A : memref<!tpu.dma_semaphore, #tpu.memory_space<semaphore_mem>>) src(%dma_wait3A_32 : memref<16x192xf32, #tpu.memory_space<hbm>>) dst(%arg6 : memref<16x192xf32, #tpu.memory_space<vmem>>)
        tpu.yield
      }) : () -> ()
      "tpu.region"() ({
        %run_scoped3A = tpu.sem_alloc : memref<!tpu.dma_semaphore, #tpu.memory_space<semaphore_mem>>
        %dma_start3A = arith.constant 0 : i32
        %dma_start3A_27 = tpu.memref_slice %arg3[%add3A_18, %dma_start3A] : memref<65536x192xf32, #tpu.memory_space<hbm>> -> memref<16x192xf32, #tpu.memory_space<hbm>>
        %dma_start3A_28 = arith.constant 0 : i32
        %dma_start3A_29 = tpu.memref_slice %arg3[%add3A_18, %dma_start3A_28] : memref<65536x192xf32, #tpu.memory_space<hbm>> -> memref<16x192xf32, #tpu.memory_space<hbm>>
        tpu.enqueue_dma source(%dma_start3A_29 : memref<16x192xf32, #tpu.memory_space<hbm>>) target(%arg7 : memref<16x192xf32, #tpu.memory_space<vmem>>) target_semaphore(%run_scoped3A : memref<!tpu.dma_semaphore, #tpu.memory_space<semaphore_mem>>)
        %dma_wait3A = arith.constant 0 : i32
        %dma_wait3A_30 = tpu.memref_slice %arg3[%add3A_18, %dma_wait3A] : memref<65536x192xf32, #tpu.memory_space<hbm>> -> memref<16x192xf32, #tpu.memory_space<hbm>>
        %dma_wait3A_31 = arith.constant 0 : i32
        %dma_wait3A_32 = tpu.memref_slice %arg3[%add3A_18, %dma_wait3A_31] : memref<65536x192xf32, #tpu.memory_space<hbm>> -> memref<16x192xf32, #tpu.memory_space<hbm>>
        tpu.wait_dma2 semaphore(%run_scoped3A : memref<!tpu.dma_semaphore, #tpu.memory_space<semaphore_mem>>) src(%dma_wait3A_32 : memref<16x192xf32, #tpu.memory_space<hbm>>) dst(%arg7 : memref<16x192xf32, #tpu.memory_space<vmem>>)
        tpu.yield
      }) : () -> ()
      "tpu.region"() ({
        %run_scoped3A = tpu.sem_alloc : memref<!tpu.dma_semaphore, #tpu.memory_space<semaphore_mem>>
        %dma_start3A = arith.constant 0 : i32
        %dma_start3A_27 = tpu.memref_slice %arg4[%add3A_18, %dma_start3A] : memref<65536x96xf32, #tpu.memory_space<hbm>> -> memref<16x96xf32, #tpu.memory_space<hbm>>
        %dma_start3A_28 = arith.constant 0 : i32
        %dma_start3A_29 = tpu.memref_slice %arg4[%add3A_18, %dma_start3A_28] : memref<65536x96xf32, #tpu.memory_space<hbm>> -> memref<16x96xf32, #tpu.memory_space<hbm>>
        tpu.enqueue_dma source(%dma_start3A_29 : memref<16x96xf32, #tpu.memory_space<hbm>>) target(%arg8 : memref<16x96xf32, #tpu.memory_space<vmem>>) target_semaphore(%run_scoped3A : memref<!tpu.dma_semaphore, #tpu.memory_space<semaphore_mem>>)
        %dma_wait3A = arith.constant 0 : i32
        %dma_wait3A_30 = tpu.memref_slice %arg4[%add3A_18, %dma_wait3A] : memref<65536x96xf32, #tpu.memory_space<hbm>> -> memref<16x96xf32, #tpu.memory_space<hbm>>
        %dma_wait3A_31 = arith.constant 0 : i32
        %dma_wait3A_32 = tpu.memref_slice %arg4[%add3A_18, %dma_wait3A_31] : memref<65536x96xf32, #tpu.memory_space<hbm>> -> memref<16x96xf32, #tpu.memory_space<hbm>>
        tpu.wait_dma2 semaphore(%run_scoped3A : memref<!tpu.dma_semaphore, #tpu.memory_space<semaphore_mem>>) src(%dma_wait3A_32 : memref<16x96xf32, #tpu.memory_space<hbm>>) dst(%arg8 : memref<16x96xf32, #tpu.memory_space<vmem>>)
        tpu.yield
      }) : () -> ()
      %scan3A_19 = arith.constant 0 : i32
      %scan3A_20 = arith.constant 0 : i32
      %scan3A_21 = arith.constant 16 : i32
      %scan3A_22 = arith.addi %scan3A_20, %scan3A_21 : i32
      %scan3A_23 = arith.constant 1 : i32
      %scan3A_24 = scf.for %scan3A_27 = %scan3A_20 to %scan3A_22 step %scan3A_23 iter_args(%scan3A_28 = %scan3A_19) -> (i32)  : i32 {
        %broadcast_in_dim3A = arith.constant 0.000000e+00 : f32
        %broadcast_in_dim3A_29 = vector.broadcast %broadcast_in_dim3A : f32 to vector<16xf32>
        %get3A = arith.index_cast %scan3A_27 : i32 to index
        %get3A_30 = arith.constant 0 : index
        %get3A_31 = tpu.vector_load %arg7[%get3A, %get3A_30] {strides = array<i32>} : memref<16x192xf32, #tpu.memory_space<vmem>>, vector<16xf32>,
        %add3A_32 = arith.constant 9.99999974E-6 : f32
        %add3A_33 = vector.broadcast %add3A_32 : f32 to vector<16xf32>
        %add3A_34 = arith.addf %get3A_31, %add3A_33 : vector<16xf32>
        %ge3A = arith.constant 1 : i32
        %ge3A_35 = vector.broadcast %ge3A : i32 to vector<16xi32>
        %ge3A_36 = arith.cmpi sge, %iota3A, %ge3A_35 : vector<16xi32>
        %jit3A = arith.constant 0.000000e+00 : f32
        %broadcast_in_dim3A_37 = vector.broadcast %jit3A : f32 to vector<16xf32>
        %select_n3A = arith.select %ge3A_36, %add3A_34, %broadcast_in_dim3A_37 : vector<16xi1>, vector<16xf32>
        %broadcast_in_dim3A_38 = arith.constant true
        %broadcast_in_dim3A_39 = vector.broadcast %broadcast_in_dim3A_38 : i1 to vector<16xi1>
        %masked_cumsum3A = tpu.scan <sum>, %select_n3A masked %broadcast_in_dim3A_39 : vector<16xf32>, vector<16xi1> -> vector<16xf32>
        %add3A_40 = arith.addf %masked_cumsum3A, %broadcast_in_dim3A_29 : vector<16xf32>
        %swap3A = arith.constant 0 : index
        %swap3A_41 = tpu.vector_load %arg10[%swap3A] {strides = array<i32>} : memref<192xf32, #tpu.memory_space<vmem>>, vector<16xf32>,
        tpu.vector_store %arg10[%swap3A], %add3A_40 {strides = array<i32>} : memref<192xf32, #tpu.memory_space<vmem>>, vector<16xf32>,
        %broadcast_in_dim3A_42 = arith.constant 15 : i32
        %broadcast_in_dim3A_43 = vector.broadcast %broadcast_in_dim3A_42 : i32 to vector<16xi32>
        %broadcast_in_dim3A_44 = vector.shape_cast %broadcast_in_dim3A_43 : vector<16xi32> to vector<16x1xi32>
        %gather3A = vector.shape_cast %broadcast_in_dim3A_44 : vector<16x1xi32> to vector<16xi32>
        %gather3A_45 = tpu.dynamic_gather %add3A_40[%gather3A] in [0] : vector<16xf32>, vector<16xi32> -> vector<16xf32>
        %get3A_46 = arith.index_cast %scan3A_27 : i32 to index
        %get3A_47 = arith.constant 16 : index
        %get3A_48 = tpu.vector_load %arg7[%get3A_46, %get3A_47] {strides = array<i32>} : memref<16x192xf32, #tpu.memory_space<vmem>>, vector<16xf32>,
        %add3A_49 = arith.constant 9.99999974E-6 : f32
        %add3A_50 = vector.broadcast %add3A_49 : f32 to vector<16xf32>
        %add3A_51 = arith.addf %get3A_48, %add3A_50 : vector<16xf32>
        %broadcast_in_dim3A_52 = arith.constant true
        %broadcast_in_dim3A_53 = vector.broadcast %broadcast_in_dim3A_52 : i1 to vector<16xi1>
        %masked_cumsum3A_54 = tpu.scan <sum>, %add3A_51 masked %broadcast_in_dim3A_53 : vector<16xf32>, vector<16xi1> -> vector<16xf32>
        %add3A_55 = arith.addf %masked_cumsum3A_54, %gather3A_45 : vector<16xf32>
        %swap3A_56 = arith.constant 16 : index
        %swap3A_57 = tpu.vector_load %arg10[%swap3A_56] {strides = array<i32>} : memref<192xf32, #tpu.memory_space<vmem>>, vector<16xf32>,
        tpu.vector_store %arg10[%swap3A_56], %add3A_55 {strides = array<i32>} : memref<192xf32, #tpu.memory_space<vmem>>, vector<16xf32>,
        %broadcast_in_dim3A_58 = arith.constant 15 : i32
        %broadcast_in_dim3A_59 = vector.broadcast %broadcast_in_dim3A_58 : i32 to vector<16xi32>
        %broadcast_in_dim3A_60 = vector.shape_cast %broadcast_in_dim3A_59 : vector<16xi32> to vector<16x1xi32>
        %gather3A_61 = vector.shape_cast %broadcast_in_dim3A_60 : vector<16x1xi32> to vector<16xi32>
        %gather3A_62 = tpu.dynamic_gather %add3A_55[%gather3A_61] in [0] : vector<16xf32>, vector<16xi32> -> vector<16xf32>
        %get3A_63 = arith.index_cast %scan3A_27 : i32 to index
        %get3A_64 = arith.constant 32 : index
        %get3A_65 = tpu.vector_load %arg7[%get3A_63, %get3A_64] {strides = array<i32>} : memref<16x192xf32, #tpu.memory_space<vmem>>, vector<16xf32>,
        %add3A_66 = arith.constant 9.99999974E-6 : f32
        %add3A_67 = vector.broadcast %add3A_66 : f32 to vector<16xf32>
        %add3A_68 = arith.addf %get3A_65, %add3A_67 : vector<16xf32>
        %broadcast_in_dim3A_69 = arith.constant true
        %broadcast_in_dim3A_70 = vector.broadcast %broadcast_in_dim3A_69 : i1 to vector<16xi1>
        %masked_cumsum3A_71 = tpu.scan <sum>, %add3A_68 masked %broadcast_in_dim3A_70 : vector<16xf32>, vector<16xi1> -> vector<16xf32>
        %add3A_72 = arith.addf %masked_cumsum3A_71, %gather3A_62 : vector<16xf32>
        %swap3A_73 = arith.constant 32 : index
        %swap3A_74 = tpu.vector_load %arg10[%swap3A_73] {strides = array<i32>} : memref<192xf32, #tpu.memory_space<vmem>>, vector<16xf32>,
        tpu.vector_store %arg10[%swap3A_73], %add3A_72 {strides = array<i32>} : memref<192xf32, #tpu.memory_space<vmem>>, vector<16xf32>,
        %broadcast_in_dim3A_75 = arith.constant 15 : i32
        %broadcast_in_dim3A_76 = vector.broadcast %broadcast_in_dim3A_75 : i32 to vector<16xi32>
        %broadcast_in_dim3A_77 = vector.shape_cast %broadcast_in_dim3A_76 : vector<16xi32> to vector<16x1xi32>
        %gather3A_78 = vector.shape_cast %broadcast_in_dim3A_77 : vector<16x1xi32> to vector<16xi32>
        %gather3A_79 = tpu.dynamic_gather %add3A_72[%gather3A_78] in [0] : vector<16xf32>, vector<16xi32> -> vector<16xf32>
        %get3A_80 = arith.index_cast %scan3A_27 : i32 to index
        %get3A_81 = arith.constant 48 : index
        %get3A_82 = tpu.vector_load %arg7[%get3A_80, %get3A_81] {strides = array<i32>} : memref<16x192xf32, #tpu.memory_space<vmem>>, vector<16xf32>,
        %add3A_83 = arith.constant 9.99999974E-6 : f32
        %add3A_84 = vector.broadcast %add3A_83 : f32 to vector<16xf32>
        %add3A_85 = arith.addf %get3A_82, %add3A_84 : vector<16xf32>
        %broadcast_in_dim3A_86 = arith.constant true
        %broadcast_in_dim3A_87 = vector.broadcast %broadcast_in_dim3A_86 : i1 to vector<16xi1>
        %masked_cumsum3A_88 = tpu.scan <sum>, %add3A_85 masked %broadcast_in_dim3A_87 : vector<16xf32>, vector<16xi1> -> vector<16xf32>
        %add3A_89 = arith.addf %masked_cumsum3A_88, %gather3A_79 : vector<16xf32>
        %swap3A_90 = arith.constant 48 : index
        %swap3A_91 = tpu.vector_load %arg10[%swap3A_90] {strides = array<i32>} : memref<192xf32, #tpu.memory_space<vmem>>, vector<16xf32>,
        tpu.vector_store %arg10[%swap3A_90], %add3A_89 {strides = array<i32>} : memref<192xf32, #tpu.memory_space<vmem>>, vector<16xf32>,
        %broadcast_in_dim3A_92 = arith.constant 15 : i32
        %broadcast_in_dim3A_93 = vector.broadcast %broadcast_in_dim3A_92 : i32 to vector<16xi32>
        %broadcast_in_dim3A_94 = vector.shape_cast %broadcast_in_dim3A_93 : vector<16xi32> to vector<16x1xi32>
        %gather3A_95 = vector.shape_cast %broadcast_in_dim3A_94 : vector<16x1xi32> to vector<16xi32>
        %gather3A_96 = tpu.dynamic_gather %add3A_89[%gather3A_95] in [0] : vector<16xf32>, vector<16xi32> -> vector<16xf32>
        %get3A_97 = arith.index_cast %scan3A_27 : i32 to index
        %get3A_98 = arith.constant 64 : index
        %get3A_99 = tpu.vector_load %arg7[%get3A_97, %get3A_98] {strides = array<i32>} : memref<16x192xf32, #tpu.memory_space<vmem>>, vector<16xf32>,
        %add3A_100 = arith.constant 9.99999974E-6 : f32
        %add3A_101 = vector.broadcast %add3A_100 : f32 to vector<16xf32>
        %add3A_102 = arith.addf %get3A_99, %add3A_101 : vector<16xf32>
        %broadcast_in_dim3A_103 = arith.constant true
        %broadcast_in_dim3A_104 = vector.broadcast %broadcast_in_dim3A_103 : i1 to vector<16xi1>
        %masked_cumsum3A_105 = tpu.scan <sum>, %add3A_102 masked %broadcast_in_dim3A_104 : vector<16xf32>, vector<16xi1> -> vector<16xf32>
        %add3A_106 = arith.addf %masked_cumsum3A_105, %gather3A_96 : vector<16xf32>
        %swap3A_107 = arith.constant 64 : index
        %swap3A_108 = tpu.vector_load %arg10[%swap3A_107] {strides = array<i32>} : memref<192xf32, #tpu.memory_space<vmem>>, vector<16xf32>,
        tpu.vector_store %arg10[%swap3A_107], %add3A_106 {strides = array<i32>} : memref<192xf32, #tpu.memory_space<vmem>>, vector<16xf32>,
        %broadcast_in_dim3A_109 = arith.constant 15 : i32
        %broadcast_in_dim3A_110 = vector.broadcast %broadcast_in_dim3A_109 : i32 to vector<16xi32>
        %broadcast_in_dim3A_111 = vector.shape_cast %broadcast_in_dim3A_110 : vector<16xi32> to vector<16x1xi32>
        %gather3A_112 = vector.shape_cast %broadcast_in_dim3A_111 : vector<16x1xi32> to vector<16xi32>
        %gather3A_113 = tpu.dynamic_gather %add3A_106[%gather3A_112] in [0] : vector<16xf32>, vector<16xi32> -> vector<16xf32>
        %get3A_114 = arith.index_cast %scan3A_27 : i32 to index
        %get3A_115 = arith.constant 80 : index
        %get3A_116 = tpu.vector_load %arg7[%get3A_114, %get3A_115] {strides = array<i32>} : memref<16x192xf32, #tpu.memory_space<vmem>>, vector<16xf32>,
        %add3A_117 = arith.constant 9.99999974E-6 : f32
        %add3A_118 = vector.broadcast %add3A_117 : f32 to vector<16xf32>
        %add3A_119 = arith.addf %get3A_116, %add3A_118 : vector<16xf32>
        %broadcast_in_dim3A_120 = arith.constant true
        %broadcast_in_dim3A_121 = vector.broadcast %broadcast_in_dim3A_120 : i1 to vector<16xi1>
        %masked_cumsum3A_122 = tpu.scan <sum>, %add3A_119 masked %broadcast_in_dim3A_121 : vector<16xf32>, vector<16xi1> -> vector<16xf32>
        %add3A_123 = arith.addf %masked_cumsum3A_122, %gather3A_113 : vector<16xf32>
        %swap3A_124 = arith.constant 80 : index
        %swap3A_125 = tpu.vector_load %arg10[%swap3A_124] {strides = array<i32>} : memref<192xf32, #tpu.memory_space<vmem>>, vector<16xf32>,
        tpu.vector_store %arg10[%swap3A_124], %add3A_123 {strides = array<i32>} : memref<192xf32, #tpu.memory_space<vmem>>, vector<16xf32>,
        %broadcast_in_dim3A_126 = arith.constant 15 : i32
        %broadcast_in_dim3A_127 = vector.broadcast %broadcast_in_dim3A_126 : i32 to vector<16xi32>
        %broadcast_in_dim3A_128 = vector.shape_cast %broadcast_in_dim3A_127 : vector<16xi32> to vector<16x1xi32>
        %gather3A_129 = vector.shape_cast %broadcast_in_dim3A_128 : vector<16x1xi32> to vector<16xi32>
        %gather3A_130 = tpu.dynamic_gather %add3A_123[%gather3A_129] in [0] : vector<16xf32>, vector<16xi32> -> vector<16xf32>
        %get3A_131 = arith.index_cast %scan3A_27 : i32 to index
        %get3A_132 = arith.constant 96 : index
        %get3A_133 = tpu.vector_load %arg7[%get3A_131, %get3A_132] {strides = array<i32>} : memref<16x192xf32, #tpu.memory_space<vmem>>, vector<16xf32>,
        %add3A_134 = arith.constant 9.99999974E-6 : f32
        %add3A_135 = vector.broadcast %add3A_134 : f32 to vector<16xf32>
        %add3A_136 = arith.addf %get3A_133, %add3A_135 : vector<16xf32>
        %broadcast_in_dim3A_137 = arith.constant true
        %broadcast_in_dim3A_138 = vector.broadcast %broadcast_in_dim3A_137 : i1 to vector<16xi1>
        %masked_cumsum3A_139 = tpu.scan <sum>, %add3A_136 masked %broadcast_in_dim3A_138 : vector<16xf32>, vector<16xi1> -> vector<16xf32>
        %add3A_140 = arith.addf %masked_cumsum3A_139, %gather3A_130 : vector<16xf32>
        %swap3A_141 = arith.constant 96 : index
        %swap3A_142 = tpu.vector_load %arg10[%swap3A_141] {strides = array<i32>} : memref<192xf32, #tpu.memory_space<vmem>>, vector<16xf32>,
        tpu.vector_store %arg10[%swap3A_141], %add3A_140 {strides = array<i32>} : memref<192xf32, #tpu.memory_space<vmem>>, vector<16xf32>,
        %broadcast_in_dim3A_143 = arith.constant 15 : i32
        %broadcast_in_dim3A_144 = vector.broadcast %broadcast_in_dim3A_143 : i32 to vector<16xi32>
        %broadcast_in_dim3A_145 = vector.shape_cast %broadcast_in_dim3A_144 : vector<16xi32> to vector<16x1xi32>
        %gather3A_146 = vector.shape_cast %broadcast_in_dim3A_145 : vector<16x1xi32> to vector<16xi32>
        %gather3A_147 = tpu.dynamic_gather %add3A_140[%gather3A_146] in [0] : vector<16xf32>, vector<16xi32> -> vector<16xf32>
        %get3A_148 = arith.index_cast %scan3A_27 : i32 to index
        %get3A_149 = arith.constant 112 : index
        %get3A_150 = tpu.vector_load %arg7[%get3A_148, %get3A_149] {strides = array<i32>} : memref<16x192xf32, #tpu.memory_space<vmem>>, vector<16xf32>,
        %add3A_151 = arith.constant 9.99999974E-6 : f32
        %add3A_152 = vector.broadcast %add3A_151 : f32 to vector<16xf32>
        %add3A_153 = arith.addf %get3A_150, %add3A_152 : vector<16xf32>
        %broadcast_in_dim3A_154 = arith.constant true
        %broadcast_in_dim3A_155 = vector.broadcast %broadcast_in_dim3A_154 : i1 to vector<16xi1>
        %masked_cumsum3A_156 = tpu.scan <sum>, %add3A_153 masked %broadcast_in_dim3A_155 : vector<16xf32>, vector<16xi1> -> vector<16xf32>
        %add3A_157 = arith.addf %masked_cumsum3A_156, %gather3A_147 : vector<16xf32>
        %swap3A_158 = arith.constant 112 : index
        %swap3A_159 = tpu.vector_load %arg10[%swap3A_158] {strides = array<i32>} : memref<192xf32, #tpu.memory_space<vmem>>, vector<16xf32>,
        tpu.vector_store %arg10[%swap3A_158], %add3A_157 {strides = array<i32>} : memref<192xf32, #tpu.memory_space<vmem>>, vector<16xf32>,
        %broadcast_in_dim3A_160 = arith.constant 15 : i32
        %broadcast_in_dim3A_161 = vector.broadcast %broadcast_in_dim3A_160 : i32 to vector<16xi32>
        %broadcast_in_dim3A_162 = vector.shape_cast %broadcast_in_dim3A_161 : vector<16xi32> to vector<16x1xi32>
        %gather3A_163 = vector.shape_cast %broadcast_in_dim3A_162 : vector<16x1xi32> to vector<16xi32>
        %gather3A_164 = tpu.dynamic_gather %add3A_157[%gather3A_163] in [0] : vector<16xf32>, vector<16xi32> -> vector<16xf32>
        %get3A_165 = arith.index_cast %scan3A_27 : i32 to index
        %get3A_166 = arith.constant 128 : index
        %get3A_167 = tpu.vector_load %arg7[%get3A_165, %get3A_166] {strides = array<i32>} : memref<16x192xf32, #tpu.memory_space<vmem>>, vector<16xf32>,
        %add3A_168 = arith.constant 9.99999974E-6 : f32
        %add3A_169 = vector.broadcast %add3A_168 : f32 to vector<16xf32>
        %add3A_170 = arith.addf %get3A_167, %add3A_169 : vector<16xf32>
        %broadcast_in_dim3A_171 = arith.constant true
        %broadcast_in_dim3A_172 = vector.broadcast %broadcast_in_dim3A_171 : i1 to vector<16xi1>
        %masked_cumsum3A_173 = tpu.scan <sum>, %add3A_170 masked %broadcast_in_dim3A_172 : vector<16xf32>, vector<16xi1> -> vector<16xf32>
        %add3A_174 = arith.addf %masked_cumsum3A_173, %gather3A_164 : vector<16xf32>
        %swap3A_175 = arith.constant 128 : index
        %swap3A_176 = tpu.vector_load %arg10[%swap3A_175] {strides = array<i32>} : memref<192xf32, #tpu.memory_space<vmem>>, vector<16xf32>,
        tpu.vector_store %arg10[%swap3A_175], %add3A_174 {strides = array<i32>} : memref<192xf32, #tpu.memory_space<vmem>>, vector<16xf32>,
        %broadcast_in_dim3A_177 = arith.constant 15 : i32
        %broadcast_in_dim3A_178 = vector.broadcast %broadcast_in_dim3A_177 : i32 to vector<16xi32>
        %broadcast_in_dim3A_179 = vector.shape_cast %broadcast_in_dim3A_178 : vector<16xi32> to vector<16x1xi32>
        %gather3A_180 = vector.shape_cast %broadcast_in_dim3A_179 : vector<16x1xi32> to vector<16xi32>
        %gather3A_181 = tpu.dynamic_gather %add3A_174[%gather3A_180] in [0] : vector<16xf32>, vector<16xi32> -> vector<16xf32>
        %get3A_182 = arith.index_cast %scan3A_27 : i32 to index
        %get3A_183 = arith.constant 144 : index
        %get3A_184 = tpu.vector_load %arg7[%get3A_182, %get3A_183] {strides = array<i32>} : memref<16x192xf32, #tpu.memory_space<vmem>>, vector<16xf32>,
        %add3A_185 = arith.constant 9.99999974E-6 : f32
        %add3A_186 = vector.broadcast %add3A_185 : f32 to vector<16xf32>
        %add3A_187 = arith.addf %get3A_184, %add3A_186 : vector<16xf32>
        %broadcast_in_dim3A_188 = arith.constant true
        %broadcast_in_dim3A_189 = vector.broadcast %broadcast_in_dim3A_188 : i1 to vector<16xi1>
        %masked_cumsum3A_190 = tpu.scan <sum>, %add3A_187 masked %broadcast_in_dim3A_189 : vector<16xf32>, vector<16xi1> -> vector<16xf32>
        %add3A_191 = arith.addf %masked_cumsum3A_190, %gather3A_181 : vector<16xf32>
        %swap3A_192 = arith.constant 144 : index
        %swap3A_193 = tpu.vector_load %arg10[%swap3A_192] {strides = array<i32>} : memref<192xf32, #tpu.memory_space<vmem>>, vector<16xf32>,
        tpu.vector_store %arg10[%swap3A_192], %add3A_191 {strides = array<i32>} : memref<192xf32, #tpu.memory_space<vmem>>, vector<16xf32>,
        %broadcast_in_dim3A_194 = arith.constant 15 : i32
        %broadcast_in_dim3A_195 = vector.broadcast %broadcast_in_dim3A_194 : i32 to vector<16xi32>
        %broadcast_in_dim3A_196 = vector.shape_cast %broadcast_in_dim3A_195 : vector<16xi32> to vector<16x1xi32>
        %gather3A_197 = vector.shape_cast %broadcast_in_dim3A_196 : vector<16x1xi32> to vector<16xi32>
        %gather3A_198 = tpu.dynamic_gather %add3A_191[%gather3A_197] in [0] : vector<16xf32>, vector<16xi32> -> vector<16xf32>
        %get3A_199 = arith.index_cast %scan3A_27 : i32 to index
        %get3A_200 = arith.constant 160 : index
        %get3A_201 = tpu.vector_load %arg7[%get3A_199, %get3A_200] {strides = array<i32>} : memref<16x192xf32, #tpu.memory_space<vmem>>, vector<16xf32>,
        %add3A_202 = arith.constant 9.99999974E-6 : f32
        %add3A_203 = vector.broadcast %add3A_202 : f32 to vector<16xf32>
        %add3A_204 = arith.addf %get3A_201, %add3A_203 : vector<16xf32>
        %broadcast_in_dim3A_205 = arith.constant true
        %broadcast_in_dim3A_206 = vector.broadcast %broadcast_in_dim3A_205 : i1 to vector<16xi1>
        %masked_cumsum3A_207 = tpu.scan <sum>, %add3A_204 masked %broadcast_in_dim3A_206 : vector<16xf32>, vector<16xi1> -> vector<16xf32>
        %add3A_208 = arith.addf %masked_cumsum3A_207, %gather3A_198 : vector<16xf32>
        %swap3A_209 = arith.constant 160 : index
        %swap3A_210 = tpu.vector_load %arg10[%swap3A_209] {strides = array<i32>} : memref<192xf32, #tpu.memory_space<vmem>>, vector<16xf32>,
        tpu.vector_store %arg10[%swap3A_209], %add3A_208 {strides = array<i32>} : memref<192xf32, #tpu.memory_space<vmem>>, vector<16xf32>,
        %broadcast_in_dim3A_211 = arith.constant 15 : i32
        %broadcast_in_dim3A_212 = vector.broadcast %broadcast_in_dim3A_211 : i32 to vector<16xi32>
        %broadcast_in_dim3A_213 = vector.shape_cast %broadcast_in_dim3A_212 : vector<16xi32> to vector<16x1xi32>
        %gather3A_214 = vector.shape_cast %broadcast_in_dim3A_213 : vector<16x1xi32> to vector<16xi32>
        %gather3A_215 = tpu.dynamic_gather %add3A_208[%gather3A_214] in [0] : vector<16xf32>, vector<16xi32> -> vector<16xf32>
        %get3A_216 = arith.index_cast %scan3A_27 : i32 to index
        %get3A_217 = arith.constant 176 : index
        %get3A_218 = tpu.vector_load %arg7[%get3A_216, %get3A_217] {strides = array<i32>} : memref<16x192xf32, #tpu.memory_space<vmem>>, vector<16xf32>,
        %add3A_219 = arith.constant 9.99999974E-6 : f32
        %add3A_220 = vector.broadcast %add3A_219 : f32 to vector<16xf32>
        %add3A_221 = arith.addf %get3A_218, %add3A_220 : vector<16xf32>
        %le3A = arith.constant 14 : i32
        %le3A_222 = vector.broadcast %le3A : i32 to vector<16xi32>
        %le3A_223 = arith.cmpi sle, %iota3A, %le3A_222 : vector<16xi32>
        %jit3A_224 = arith.constant 0.000000e+00 : f32
        %broadcast_in_dim3A_225 = vector.broadcast %jit3A_224 : f32 to vector<16xf32>
        %select_n3A_226 = arith.select %le3A_223, %add3A_221, %broadcast_in_dim3A_225 : vector<16xi1>, vector<16xf32>
        %broadcast_in_dim3A_227 = arith.constant true
        %broadcast_in_dim3A_228 = vector.broadcast %broadcast_in_dim3A_227 : i1 to vector<16xi1>
        %masked_cumsum3A_229 = tpu.scan <sum>, %select_n3A_226 masked %broadcast_in_dim3A_228 : vector<16xf32>, vector<16xi1> -> vector<16xf32>
        %add3A_230 = arith.addf %masked_cumsum3A_229, %gather3A_215 : vector<16xf32>
        %swap3A_231 = arith.constant 176 : index
        %swap3A_232 = tpu.vector_load %arg10[%swap3A_231] {strides = array<i32>} : memref<192xf32, #tpu.memory_space<vmem>>, vector<16xf32>,
        tpu.vector_store %arg10[%swap3A_231], %add3A_230 {strides = array<i32>} : memref<192xf32, #tpu.memory_space<vmem>>, vector<16xf32>,
        %broadcast_in_dim3A_233 = arith.constant 15 : i32
        %broadcast_in_dim3A_234 = vector.broadcast %broadcast_in_dim3A_233 : i32 to vector<16xi32>
        %broadcast_in_dim3A_235 = vector.shape_cast %broadcast_in_dim3A_234 : vector<16xi32> to vector<16x1xi32>
        %gather3A_236 = vector.shape_cast %broadcast_in_dim3A_235 : vector<16x1xi32> to vector<16xi32>
        %gather3A_237 = tpu.dynamic_gather %add3A_230[%gather3A_236] in [0] : vector<16xf32>, vector<16xi32> -> vector<16xf32>
        %div3A = arith.constant 1.000000e+00 : f32
        %div3A_238 = vector.broadcast %div3A : f32 to vector<16xf32>
        %div3A_239 = arith.divf %div3A_238, %gather3A_237 : vector<16xf32>
        %mul3A_240 = arith.constant 9.99999974E-6 : f32
        %mul3A_241 = vector.broadcast %mul3A_240 : f32 to vector<16xf32>
        %mul3A_242 = arith.mulf %mul3A_241, %gather3A_237 : vector<16xf32>
        %get3A_243 = arith.index_cast %scan3A_27 : i32 to index
        %get3A_244 = arith.constant 0 : index
        %get3A_245 = tpu.vector_load %arg6[%get3A_243, %get3A_244] {strides = array<i32>} : memref<16x192xf32, #tpu.memory_space<vmem>>, vector<16xf32>,
        %get3A_246 = arith.index_cast %scan3A_27 : i32 to index
        %get3A_247 = arith.constant 1 : index
        %get3A_248 = tpu.vector_load %arg6[%get3A_246, %get3A_247] {strides = array<i32>} : memref<16x192xf32, #tpu.memory_space<vmem>>, vector<16xf32>,
        %add3A_249 = arith.addf %get3A_245, %get3A_248 : vector<16xf32>
        %mul3A_250 = arith.constant 5.000000e-01 : f32
        %mul3A_251 = vector.broadcast %mul3A_250 : f32 to vector<16xf32>
        %mul3A_252 = arith.mulf %mul3A_251, %add3A_249 : vector<16xf32>
        %swap3A_253 = arith.constant 0 : index
        %swap3A_254 = tpu.vector_load %arg11[%swap3A_253] {strides = array<i32>} : memref<192xf32, #tpu.memory_space<vmem>>, vector<16xf32>,
        tpu.vector_store %arg11[%swap3A_253], %mul3A_252 {strides = array<i32>} : memref<192xf32, #tpu.memory_space<vmem>>, vector<16xf32>,
        %get3A_255 = arith.index_cast %scan3A_27 : i32 to index
        %get3A_256 = arith.constant 16 : index
        %get3A_257 = tpu.vector_load %arg6[%get3A_255, %get3A_256] {strides = array<i32>} : memref<16x192xf32, #tpu.memory_space<vmem>>, vector<16xf32>,
        %get3A_258 = arith.index_cast %scan3A_27 : i32 to index
        %get3A_259 = arith.constant 17 : index
        %get3A_260 = tpu.vector_load %arg6[%get3A_258, %get3A_259] {strides = array<i32>} : memref<16x192xf32, #tpu.memory_space<vmem>>, vector<16xf32>,
        %add3A_261 = arith.addf %get3A_257, %get3A_260 : vector<16xf32>
        %mul3A_262 = arith.constant 5.000000e-01 : f32
        %mul3A_263 = vector.broadcast %mul3A_262 : f32 to vector<16xf32>
        %mul3A_264 = arith.mulf %mul3A_263, %add3A_261 : vector<16xf32>
        %swap3A_265 = arith.constant 16 : index
        %swap3A_266 = tpu.vector_load %arg11[%swap3A_265] {strides = array<i32>} : memref<192xf32, #tpu.memory_space<vmem>>, vector<16xf32>,
        tpu.vector_store %arg11[%swap3A_265], %mul3A_264 {strides = array<i32>} : memref<192xf32, #tpu.memory_space<vmem>>, vector<16xf32>,
        %get3A_267 = arith.index_cast %scan3A_27 : i32 to index
        %get3A_268 = arith.constant 32 : index
        %get3A_269 = tpu.vector_load %arg6[%get3A_267, %get3A_268] {strides = array<i32>} : memref<16x192xf32, #tpu.memory_space<vmem>>, vector<16xf32>,
        %get3A_270 = arith.index_cast %scan3A_27 : i32 to index
        %get3A_271 = arith.constant 33 : index
        %get3A_272 = tpu.vector_load %arg6[%get3A_270, %get3A_271] {strides = array<i32>} : memref<16x192xf32, #tpu.memory_space<vmem>>, vector<16xf32>,
        %add3A_273 = arith.addf %get3A_269, %get3A_272 : vector<16xf32>
        %mul3A_274 = arith.constant 5.000000e-01 : f32
        %mul3A_275 = vector.broadcast %mul3A_274 : f32 to vector<16xf32>
        %mul3A_276 = arith.mulf %mul3A_275, %add3A_273 : vector<16xf32>
        %swap3A_277 = arith.constant 32 : index
        %swap3A_278 = tpu.vector_load %arg11[%swap3A_277] {strides = array<i32>} : memref<192xf32, #tpu.memory_space<vmem>>, vector<16xf32>,
        tpu.vector_store %arg11[%swap3A_277], %mul3A_276 {strides = array<i32>} : memref<192xf32, #tpu.memory_space<vmem>>, vector<16xf32>,
        %get3A_279 = arith.index_cast %scan3A_27 : i32 to index
        %get3A_280 = arith.constant 48 : index
        %get3A_281 = tpu.vector_load %arg6[%get3A_279, %get3A_280] {strides = array<i32>} : memref<16x192xf32, #tpu.memory_space<vmem>>, vector<16xf32>,
        %get3A_282 = arith.index_cast %scan3A_27 : i32 to index
        %get3A_283 = arith.constant 49 : index
        %get3A_284 = tpu.vector_load %arg6[%get3A_282, %get3A_283] {strides = array<i32>} : memref<16x192xf32, #tpu.memory_space<vmem>>, vector<16xf32>,
        %add3A_285 = arith.addf %get3A_281, %get3A_284 : vector<16xf32>
        %mul3A_286 = arith.constant 5.000000e-01 : f32
        %mul3A_287 = vector.broadcast %mul3A_286 : f32 to vector<16xf32>
        %mul3A_288 = arith.mulf %mul3A_287, %add3A_285 : vector<16xf32>
        %swap3A_289 = arith.constant 48 : index
        %swap3A_290 = tpu.vector_load %arg11[%swap3A_289] {strides = array<i32>} : memref<192xf32, #tpu.memory_space<vmem>>, vector<16xf32>,
        tpu.vector_store %arg11[%swap3A_289], %mul3A_288 {strides = array<i32>} : memref<192xf32, #tpu.memory_space<vmem>>, vector<16xf32>,
        %get3A_291 = arith.index_cast %scan3A_27 : i32 to index
        %get3A_292 = arith.constant 64 : index
        %get3A_293 = tpu.vector_load %arg6[%get3A_291, %get3A_292] {strides = array<i32>} : memref<16x192xf32, #tpu.memory_space<vmem>>, vector<16xf32>,
        %get3A_294 = arith.index_cast %scan3A_27 : i32 to index
        %get3A_295 = arith.constant 65 : index
        %get3A_296 = tpu.vector_load %arg6[%get3A_294, %get3A_295] {strides = array<i32>} : memref<16x192xf32, #tpu.memory_space<vmem>>, vector<16xf32>,
        %add3A_297 = arith.addf %get3A_293, %get3A_296 : vector<16xf32>
        %mul3A_298 = arith.constant 5.000000e-01 : f32
        %mul3A_299 = vector.broadcast %mul3A_298 : f32 to vector<16xf32>
        %mul3A_300 = arith.mulf %mul3A_299, %add3A_297 : vector<16xf32>
        %swap3A_301 = arith.constant 64 : index
        %swap3A_302 = tpu.vector_load %arg11[%swap3A_301] {strides = array<i32>} : memref<192xf32, #tpu.memory_space<vmem>>, vector<16xf32>,
        tpu.vector_store %arg11[%swap3A_301], %mul3A_300 {strides = array<i32>} : memref<192xf32, #tpu.memory_space<vmem>>, vector<16xf32>,
        %get3A_303 = arith.index_cast %scan3A_27 : i32 to index
        %get3A_304 = arith.constant 80 : index
        %get3A_305 = tpu.vector_load %arg6[%get3A_303, %get3A_304] {strides = array<i32>} : memref<16x192xf32, #tpu.memory_space<vmem>>, vector<16xf32>,
        %get3A_306 = arith.index_cast %scan3A_27 : i32 to index
        %get3A_307 = arith.constant 81 : index
        %get3A_308 = tpu.vector_load %arg6[%get3A_306, %get3A_307] {strides = array<i32>} : memref<16x192xf32, #tpu.memory_space<vmem>>, vector<16xf32>,
        %add3A_309 = arith.addf %get3A_305, %get3A_308 : vector<16xf32>
        %mul3A_310 = arith.constant 5.000000e-01 : f32
        %mul3A_311 = vector.broadcast %mul3A_310 : f32 to vector<16xf32>
        %mul3A_312 = arith.mulf %mul3A_311, %add3A_309 : vector<16xf32>
        %swap3A_313 = arith.constant 80 : index
        %swap3A_314 = tpu.vector_load %arg11[%swap3A_313] {strides = array<i32>} : memref<192xf32, #tpu.memory_space<vmem>>, vector<16xf32>,
        tpu.vector_store %arg11[%swap3A_313], %mul3A_312 {strides = array<i32>} : memref<192xf32, #tpu.memory_space<vmem>>, vector<16xf32>,
        %get3A_315 = arith.index_cast %scan3A_27 : i32 to index
        %get3A_316 = arith.constant 96 : index
        %get3A_317 = tpu.vector_load %arg6[%get3A_315, %get3A_316] {strides = array<i32>} : memref<16x192xf32, #tpu.memory_space<vmem>>, vector<16xf32>,
        %get3A_318 = arith.index_cast %scan3A_27 : i32 to index
        %get3A_319 = arith.constant 97 : index
        %get3A_320 = tpu.vector_load %arg6[%get3A_318, %get3A_319] {strides = array<i32>} : memref<16x192xf32, #tpu.memory_space<vmem>>, vector<16xf32>,
        %add3A_321 = arith.addf %get3A_317, %get3A_320 : vector<16xf32>
        %mul3A_322 = arith.constant 5.000000e-01 : f32
        %mul3A_323 = vector.broadcast %mul3A_322 : f32 to vector<16xf32>
        %mul3A_324 = arith.mulf %mul3A_323, %add3A_321 : vector<16xf32>
        %swap3A_325 = arith.constant 96 : index
        %swap3A_326 = tpu.vector_load %arg11[%swap3A_325] {strides = array<i32>} : memref<192xf32, #tpu.memory_space<vmem>>, vector<16xf32>,
        tpu.vector_store %arg11[%swap3A_325], %mul3A_324 {strides = array<i32>} : memref<192xf32, #tpu.memory_space<vmem>>, vector<16xf32>,
        %get3A_327 = arith.index_cast %scan3A_27 : i32 to index
        %get3A_328 = arith.constant 112 : index
        %get3A_329 = tpu.vector_load %arg6[%get3A_327, %get3A_328] {strides = array<i32>} : memref<16x192xf32, #tpu.memory_space<vmem>>, vector<16xf32>,
        %get3A_330 = arith.index_cast %scan3A_27 : i32 to index
        %get3A_331 = arith.constant 113 : index
        %get3A_332 = tpu.vector_load %arg6[%get3A_330, %get3A_331] {strides = array<i32>} : memref<16x192xf32, #tpu.memory_space<vmem>>, vector<16xf32>,
        %add3A_333 = arith.addf %get3A_329, %get3A_332 : vector<16xf32>
        %mul3A_334 = arith.constant 5.000000e-01 : f32
        %mul3A_335 = vector.broadcast %mul3A_334 : f32 to vector<16xf32>
        %mul3A_336 = arith.mulf %mul3A_335, %add3A_333 : vector<16xf32>
        %swap3A_337 = arith.constant 112 : index
        %swap3A_338 = tpu.vector_load %arg11[%swap3A_337] {strides = array<i32>} : memref<192xf32, #tpu.memory_space<vmem>>, vector<16xf32>,
        tpu.vector_store %arg11[%swap3A_337], %mul3A_336 {strides = array<i32>} : memref<192xf32, #tpu.memory_space<vmem>>, vector<16xf32>,
        %get3A_339 = arith.index_cast %scan3A_27 : i32 to index
        %get3A_340 = arith.constant 128 : index
        %get3A_341 = tpu.vector_load %arg6[%get3A_339, %get3A_340] {strides = array<i32>} : memref<16x192xf32, #tpu.memory_space<vmem>>, vector<16xf32>,
        %get3A_342 = arith.index_cast %scan3A_27 : i32 to index
        %get3A_343 = arith.constant 129 : index
        %get3A_344 = tpu.vector_load %arg6[%get3A_342, %get3A_343] {strides = array<i32>} : memref<16x192xf32, #tpu.memory_space<vmem>>, vector<16xf32>,
        %add3A_345 = arith.addf %get3A_341, %get3A_344 : vector<16xf32>
        %mul3A_346 = arith.constant 5.000000e-01 : f32
        %mul3A_347 = vector.broadcast %mul3A_346 : f32 to vector<16xf32>
        %mul3A_348 = arith.mulf %mul3A_347, %add3A_345 : vector<16xf32>
        %swap3A_349 = arith.constant 128 : index
        %swap3A_350 = tpu.vector_load %arg11[%swap3A_349] {strides = array<i32>} : memref<192xf32, #tpu.memory_space<vmem>>, vector<16xf32>,
        tpu.vector_store %arg11[%swap3A_349], %mul3A_348 {strides = array<i32>} : memref<192xf32, #tpu.memory_space<vmem>>, vector<16xf32>,
        %get3A_351 = arith.index_cast %scan3A_27 : i32 to index
        %get3A_352 = arith.constant 144 : index
        %get3A_353 = tpu.vector_load %arg6[%get3A_351, %get3A_352] {strides = array<i32>} : memref<16x192xf32, #tpu.memory_space<vmem>>, vector<16xf32>,
        %get3A_354 = arith.index_cast %scan3A_27 : i32 to index
        %get3A_355 = arith.constant 145 : index
        %get3A_356 = tpu.vector_load %arg6[%get3A_354, %get3A_355] {strides = array<i32>} : memref<16x192xf32, #tpu.memory_space<vmem>>, vector<16xf32>,
        %add3A_357 = arith.addf %get3A_353, %get3A_356 : vector<16xf32>
        %mul3A_358 = arith.constant 5.000000e-01 : f32
        %mul3A_359 = vector.broadcast %mul3A_358 : f32 to vector<16xf32>
        %mul3A_360 = arith.mulf %mul3A_359, %add3A_357 : vector<16xf32>
        %swap3A_361 = arith.constant 144 : index
        %swap3A_362 = tpu.vector_load %arg11[%swap3A_361] {strides = array<i32>} : memref<192xf32, #tpu.memory_space<vmem>>, vector<16xf32>,
        tpu.vector_store %arg11[%swap3A_361], %mul3A_360 {strides = array<i32>} : memref<192xf32, #tpu.memory_space<vmem>>, vector<16xf32>,
        %get3A_363 = arith.index_cast %scan3A_27 : i32 to index
        %get3A_364 = arith.constant 160 : index
        %get3A_365 = tpu.vector_load %arg6[%get3A_363, %get3A_364] {strides = array<i32>} : memref<16x192xf32, #tpu.memory_space<vmem>>, vector<16xf32>,
        %get3A_366 = arith.index_cast %scan3A_27 : i32 to index
        %get3A_367 = arith.constant 161 : index
        %get3A_368 = tpu.vector_load %arg6[%get3A_366, %get3A_367] {strides = array<i32>} : memref<16x192xf32, #tpu.memory_space<vmem>>, vector<16xf32>,
        %add3A_369 = arith.addf %get3A_365, %get3A_368 : vector<16xf32>
        %mul3A_370 = arith.constant 5.000000e-01 : f32
        %mul3A_371 = vector.broadcast %mul3A_370 : f32 to vector<16xf32>
        %mul3A_372 = arith.mulf %mul3A_371, %add3A_369 : vector<16xf32>
        %swap3A_373 = arith.constant 160 : index
        %swap3A_374 = tpu.vector_load %arg11[%swap3A_373] {strides = array<i32>} : memref<192xf32, #tpu.memory_space<vmem>>, vector<16xf32>,
        tpu.vector_store %arg11[%swap3A_373], %mul3A_372 {strides = array<i32>} : memref<192xf32, #tpu.memory_space<vmem>>, vector<16xf32>,
        %get3A_375 = arith.index_cast %scan3A_27 : i32 to index
        %get3A_376 = arith.constant 176 : index
        %get3A_377 = tpu.vector_load %arg6[%get3A_375, %get3A_376] {strides = array<i32>} : memref<16x192xf32, #tpu.memory_space<vmem>>, vector<16xf32>,
        %broadcast_in_dim3A_378 = vector.shape_cast %and3A_7 : vector<16xi32> to vector<16x1xi32>
        %gather3A_379 = vector.shape_cast %broadcast_in_dim3A_378 : vector<16x1xi32> to vector<16xi32>
        %gather3A_380 = tpu.dynamic_gather %get3A_377[%gather3A_379] in [0] : vector<16xf32>, vector<16xi32> -> vector<16xf32>
        %add3A_381 = arith.addf %get3A_377, %gather3A_380 : vector<16xf32>
        %mul3A_382 = arith.constant 5.000000e-01 : f32
        %mul3A_383 = vector.broadcast %mul3A_382 : f32 to vector<16xf32>
        %mul3A_384 = arith.mulf %mul3A_383, %add3A_381 : vector<16xf32>
        %swap3A_385 = arith.constant 176 : index
        %swap3A_386 = tpu.vector_load %arg11[%swap3A_385] {strides = array<i32>} : memref<192xf32, #tpu.memory_space<vmem>>, vector<16xf32>,
        tpu.vector_store %arg11[%swap3A_385], %mul3A_384 {strides = array<i32>} : memref<192xf32, #tpu.memory_space<vmem>>, vector<16xf32>,
        %get3A_387 = arith.index_cast %scan3A_27 : i32 to index
        %get3A_388 = arith.constant 0 : index
        %get3A_389 = tpu.vector_load %arg8[%get3A_387, %get3A_388] {strides = array<i32>} : memref<16x96xf32, #tpu.memory_space<vmem>>, vector<16xf32>,
        %mul3A_390 = arith.mulf %get3A_389, %gather3A_237 : vector<16xf32>
        %broadcast_in_dim3A_391 = arith.constant 0 : i32
        %broadcast_in_dim3A_392 = vector.broadcast %broadcast_in_dim3A_391 : i32 to vector<16xi32>
        %broadcast_in_dim3A_393 = arith.constant 191 : i32
        %broadcast_in_dim3A_394 = vector.broadcast %broadcast_in_dim3A_393 : i32 to vector<16xi32>
        %add3A_395 = arith.addi %broadcast_in_dim3A_392, %broadcast_in_dim3A_394 : vector<16xi32>
        %shift_right_logical3A = arith.constant 1 : i32
        %shift_right_logical3A_396 = vector.broadcast %shift_right_logical3A : i32 to vector<16xi32>
        %shift_right_logical3A_397 = arith.shrui %add3A_395, %shift_right_logical3A_396 : vector<16xi32>
        %gather3A_398 = tpu.vector_load_idx %arg10[%shift_right_logical3A_397] : memref<192xf32, #tpu.memory_space<vmem>>[vector<16xi32>], vector<16xf32>,
        %le3A_399 = arith.cmpf ole, %gather3A_398, %mul3A_390 : vector<16xf32>
        %select_n3A_400 = arith.select %le3A_399, %shift_right_logical3A_397, %broadcast_in_dim3A_392 : vector<16xi1>, vector<16xi32>
        %select_n3A_401 = arith.select %le3A_399, %broadcast_in_dim3A_394, %shift_right_logical3A_397 : vector<16xi1>, vector<16xi32>
        %add3A_402 = arith.addi %select_n3A_400, %select_n3A_401 : vector<16xi32>
        %shift_right_logical3A_403 = arith.constant 1 : i32
        %shift_right_logical3A_404 = vector.broadcast %shift_right_logical3A_403 : i32 to vector<16xi32>
        %shift_right_logical3A_405 = arith.shrui %add3A_402, %shift_right_logical3A_404 : vector<16xi32>
        %gather3A_406 = tpu.vector_load_idx %arg10[%shift_right_logical3A_405] : memref<192xf32, #tpu.memory_space<vmem>>[vector<16xi32>], vector<16xf32>,
        %le3A_407 = arith.cmpf ole, %gather3A_406, %mul3A_390 : vector<16xf32>
        %select_n3A_408 = arith.select %le3A_407, %shift_right_logical3A_405, %select_n3A_400 : vector<16xi1>, vector<16xi32>
        %select_n3A_409 = arith.select %le3A_407, %select_n3A_401, %shift_right_logical3A_405 : vector<16xi1>, vector<16xi32>
        %add3A_410 = arith.addi %select_n3A_408, %select_n3A_409 : vector<16xi32>
        %shift_right_logical3A_411 = arith.constant 1 : i32
        %shift_right_logical3A_412 = vector.broadcast %shift_right_logical3A_411 : i32 to vector<16xi32>
        %shift_right_logical3A_413 = arith.shrui %add3A_410, %shift_right_logical3A_412 : vector<16xi32>
        %gather3A_414 = tpu.vector_load_idx %arg10[%shift_right_logical3A_413] : memref<192xf32, #tpu.memory_space<vmem>>[vector<16xi32>], vector<16xf32>,
        %le3A_415 = arith.cmpf ole, %gather3A_414, %mul3A_390 : vector<16xf32>
        %select_n3A_416 = arith.select %le3A_415, %shift_right_logical3A_413, %select_n3A_408 : vector<16xi1>, vector<16xi32>
        %select_n3A_417 = arith.select %le3A_415, %select_n3A_409, %shift_right_logical3A_413 : vector<16xi1>, vector<16xi32>
        %add3A_418 = arith.addi %select_n3A_416, %select_n3A_417 : vector<16xi32>
        %shift_right_logical3A_419 = arith.constant 1 : i32
        %shift_right_logical3A_420 = vector.broadcast %shift_right_logical3A_419 : i32 to vector<16xi32>
        %shift_right_logical3A_421 = arith.shrui %add3A_418, %shift_right_logical3A_420 : vector<16xi32>
        %gather3A_422 = tpu.vector_load_idx %arg10[%shift_right_logical3A_421] : memref<192xf32, #tpu.memory_space<vmem>>[vector<16xi32>], vector<16xf32>,
        %le3A_423 = arith.cmpf ole, %gather3A_422, %mul3A_390 : vector<16xf32>
        %select_n3A_424 = arith.select %le3A_423, %shift_right_logical3A_421, %select_n3A_416 : vector<16xi1>, vector<16xi32>
        %select_n3A_425 = arith.select %le3A_423, %select_n3A_417, %shift_right_logical3A_421 : vector<16xi1>, vector<16xi32>
        %add3A_426 = arith.addi %select_n3A_424, %select_n3A_425 : vector<16xi32>
        %shift_right_logical3A_427 = arith.constant 1 : i32
        %shift_right_logical3A_428 = vector.broadcast %shift_right_logical3A_427 : i32 to vector<16xi32>
        %shift_right_logical3A_429 = arith.shrui %add3A_426, %shift_right_logical3A_428 : vector<16xi32>
        %gather3A_430 = tpu.vector_load_idx %arg10[%shift_right_logical3A_429] : memref<192xf32, #tpu.memory_space<vmem>>[vector<16xi32>], vector<16xf32>,
        %le3A_431 = arith.cmpf ole, %gather3A_430, %mul3A_390 : vector<16xf32>
        %select_n3A_432 = arith.select %le3A_431, %shift_right_logical3A_429, %select_n3A_424 : vector<16xi1>, vector<16xi32>
        %select_n3A_433 = arith.select %le3A_431, %select_n3A_425, %shift_right_logical3A_429 : vector<16xi1>, vector<16xi32>
        %add3A_434 = arith.addi %select_n3A_432, %select_n3A_433 : vector<16xi32>
        %shift_right_logical3A_435 = arith.constant 1 : i32
        %shift_right_logical3A_436 = vector.broadcast %shift_right_logical3A_435 : i32 to vector<16xi32>
        %shift_right_logical3A_437 = arith.shrui %add3A_434, %shift_right_logical3A_436 : vector<16xi32>
        %gather3A_438 = tpu.vector_load_idx %arg10[%shift_right_logical3A_437] : memref<192xf32, #tpu.memory_space<vmem>>[vector<16xi32>], vector<16xf32>,
        %le3A_439 = arith.cmpf ole, %gather3A_438, %mul3A_390 : vector<16xf32>
        %select_n3A_440 = arith.select %le3A_439, %shift_right_logical3A_437, %select_n3A_432 : vector<16xi1>, vector<16xi32>
        %select_n3A_441 = arith.select %le3A_439, %select_n3A_433, %shift_right_logical3A_437 : vector<16xi1>, vector<16xi32>
        %add3A_442 = arith.addi %select_n3A_440, %select_n3A_441 : vector<16xi32>
        %shift_right_logical3A_443 = arith.constant 1 : i32
        %shift_right_logical3A_444 = vector.broadcast %shift_right_logical3A_443 : i32 to vector<16xi32>
        %shift_right_logical3A_445 = arith.shrui %add3A_442, %shift_right_logical3A_444 : vector<16xi32>
        %gather3A_446 = tpu.vector_load_idx %arg10[%shift_right_logical3A_445] : memref<192xf32, #tpu.memory_space<vmem>>[vector<16xi32>], vector<16xf32>,
        %le3A_447 = arith.cmpf ole, %gather3A_446, %mul3A_390 : vector<16xf32>
        %select_n3A_448 = arith.select %le3A_447, %shift_right_logical3A_445, %select_n3A_440 : vector<16xi1>, vector<16xi32>
        %select_n3A_449 = arith.select %le3A_447, %select_n3A_441, %shift_right_logical3A_445 : vector<16xi1>, vector<16xi32>
        %add3A_450 = arith.addi %select_n3A_448, %select_n3A_449 : vector<16xi32>
        %shift_right_logical3A_451 = arith.constant 1 : i32
        %shift_right_logical3A_452 = vector.broadcast %shift_right_logical3A_451 : i32 to vector<16xi32>
        %shift_right_logical3A_453 = arith.shrui %add3A_450, %shift_right_logical3A_452 : vector<16xi32>
        %gather3A_454 = tpu.vector_load_idx %arg10[%shift_right_logical3A_453] : memref<192xf32, #tpu.memory_space<vmem>>[vector<16xi32>], vector<16xf32>,
        %le3A_455 = arith.cmpf ole, %gather3A_454, %mul3A_390 : vector<16xf32>
        %select_n3A_456 = arith.select %le3A_455, %shift_right_logical3A_453, %select_n3A_448 : vector<16xi1>, vector<16xi32>
        %select_n3A_457 = arith.select %le3A_455, %select_n3A_449, %shift_right_logical3A_453 : vector<16xi1>, vector<16xi32>
        %min3A = arith.constant 190 : i32
        %min3A_458 = vector.broadcast %min3A : i32 to vector<16xi32>
        %min3A_459 = arith.minsi %select_n3A_457, %min3A_458 : vector<16xi32>
        %gather3A_460 = tpu.vector_load_idx %arg10[%select_n3A_456] : memref<192xf32, #tpu.memory_space<vmem>>[vector<16xi32>], vector<16xf32>,
        %gather3A_461 = tpu.vector_load_idx %arg10[%min3A_459] : memref<192xf32, #tpu.memory_space<vmem>>[vector<16xi32>], vector<16xf32>,
        %gather3A_462 = tpu.vector_load_idx %arg11[%select_n3A_456] : memref<192xf32, #tpu.memory_space<vmem>>[vector<16xi32>], vector<16xf32>,
        %gather3A_463 = tpu.vector_load_idx %arg11[%min3A_459] : memref<192xf32, #tpu.memory_space<vmem>>[vector<16xi32>], vector<16xf32>,
        %sub3A = arith.subf %mul3A_390, %gather3A_460 : vector<16xf32>
        %sub3A_464 = arith.subf %gather3A_461, %gather3A_460 : vector<16xf32>
        %lt3A = arith.cmpf olt, %sub3A_464, %mul3A_242 : vector<16xf32>
        %mul3A_465 = arith.mulf %sub3A, %div3A_239 : vector<16xf32>
        %div3A_466 = arith.divf %sub3A, %sub3A_464 : vector<16xf32>
        %select_n3A_467 = arith.select %lt3A, %mul3A_465, %div3A_466 : vector<16xi1>, vector<16xf32>
        %sub3A_468 = arith.subf %gather3A_463, %gather3A_462 : vector<16xf32>
        %mul3A_469 = arith.mulf %select_n3A_467, %sub3A_468 : vector<16xf32>
        %add3A_470 = arith.addf %gather3A_462, %mul3A_469 : vector<16xf32>
        %swap3A_471 = arith.index_cast %scan3A_27 : i32 to index
        %swap3A_472 = arith.constant 0 : index
        %swap3A_473 = tpu.vector_load %arg9[%swap3A_471, %swap3A_472] {strides = array<i32>} : memref<16x96xf32, #tpu.memory_space<vmem>>, vector<16xf32>,
        tpu.vector_store %arg9[%swap3A_471, %swap3A_472], %add3A_470 {strides = array<i32>} : memref<16x96xf32, #tpu.memory_space<vmem>>, vector<16xf32>,
        %get3A_474 = arith.index_cast %scan3A_27 : i32 to index
        %get3A_475 = arith.constant 16 : index
        %get3A_476 = tpu.vector_load %arg8[%get3A_474, %get3A_475] {strides = array<i32>} : memref<16x96xf32, #tpu.memory_space<vmem>>, vector<16xf32>,
        %mul3A_477 = arith.mulf %get3A_476, %gather3A_237 : vector<16xf32>
        %broadcast_in_dim3A_478 = arith.constant 0 : i32
        %broadcast_in_dim3A_479 = vector.broadcast %broadcast_in_dim3A_478 : i32 to vector<16xi32>
        %broadcast_in_dim3A_480 = arith.constant 191 : i32
        %broadcast_in_dim3A_481 = vector.broadcast %broadcast_in_dim3A_480 : i32 to vector<16xi32>
        %add3A_482 = arith.addi %broadcast_in_dim3A_479, %broadcast_in_dim3A_481 : vector<16xi32>
        %shift_right_logical3A_483 = arith.constant 1 : i32
        %shift_right_logical3A_484 = vector.broadcast %shift_right_logical3A_483 : i32 to vector<16xi32>
        %shift_right_logical3A_485 = arith.shrui %add3A_482, %shift_right_logical3A_484 : vector<16xi32>
        %gather3A_486 = tpu.vector_load_idx %arg10[%shift_right_logical3A_485] : memref<192xf32, #tpu.memory_space<vmem>>[vector<16xi32>], vector<16xf32>,
        %le3A_487 = arith.cmpf ole, %gather3A_486, %mul3A_477 : vector<16xf32>
        %select_n3A_488 = arith.select %le3A_487, %shift_right_logical3A_485, %broadcast_in_dim3A_479 : vector<16xi1>, vector<16xi32>
        %select_n3A_489 = arith.select %le3A_487, %broadcast_in_dim3A_481, %shift_right_logical3A_485 : vector<16xi1>, vector<16xi32>
        %add3A_490 = arith.addi %select_n3A_488, %select_n3A_489 : vector<16xi32>
        %shift_right_logical3A_491 = arith.constant 1 : i32
        %shift_right_logical3A_492 = vector.broadcast %shift_right_logical3A_491 : i32 to vector<16xi32>
        %shift_right_logical3A_493 = arith.shrui %add3A_490, %shift_right_logical3A_492 : vector<16xi32>
        %gather3A_494 = tpu.vector_load_idx %arg10[%shift_right_logical3A_493] : memref<192xf32, #tpu.memory_space<vmem>>[vector<16xi32>], vector<16xf32>,
        %le3A_495 = arith.cmpf ole, %gather3A_494, %mul3A_477 : vector<16xf32>
        %select_n3A_496 = arith.select %le3A_495, %shift_right_logical3A_493, %select_n3A_488 : vector<16xi1>, vector<16xi32>
        %select_n3A_497 = arith.select %le3A_495, %select_n3A_489, %shift_right_logical3A_493 : vector<16xi1>, vector<16xi32>
        %add3A_498 = arith.addi %select_n3A_496, %select_n3A_497 : vector<16xi32>
        %shift_right_logical3A_499 = arith.constant 1 : i32
        %shift_right_logical3A_500 = vector.broadcast %shift_right_logical3A_499 : i32 to vector<16xi32>
        %shift_right_logical3A_501 = arith.shrui %add3A_498, %shift_right_logical3A_500 : vector<16xi32>
        %gather3A_502 = tpu.vector_load_idx %arg10[%shift_right_logical3A_501] : memref<192xf32, #tpu.memory_space<vmem>>[vector<16xi32>], vector<16xf32>,
        %le3A_503 = arith.cmpf ole, %gather3A_502, %mul3A_477 : vector<16xf32>
        %select_n3A_504 = arith.select %le3A_503, %shift_right_logical3A_501, %select_n3A_496 : vector<16xi1>, vector<16xi32>
        %select_n3A_505 = arith.select %le3A_503, %select_n3A_497, %shift_right_logical3A_501 : vector<16xi1>, vector<16xi32>
        %add3A_506 = arith.addi %select_n3A_504, %select_n3A_505 : vector<16xi32>
        %shift_right_logical3A_507 = arith.constant 1 : i32
        %shift_right_logical3A_508 = vector.broadcast %shift_right_logical3A_507 : i32 to vector<16xi32>
        %shift_right_logical3A_509 = arith.shrui %add3A_506, %shift_right_logical3A_508 : vector<16xi32>
        %gather3A_510 = tpu.vector_load_idx %arg10[%shift_right_logical3A_509] : memref<192xf32, #tpu.memory_space<vmem>>[vector<16xi32>], vector<16xf32>,
        %le3A_511 = arith.cmpf ole, %gather3A_510, %mul3A_477 : vector<16xf32>
        %select_n3A_512 = arith.select %le3A_511, %shift_right_logical3A_509, %select_n3A_504 : vector<16xi1>, vector<16xi32>
        %select_n3A_513 = arith.select %le3A_511, %select_n3A_505, %shift_right_logical3A_509 : vector<16xi1>, vector<16xi32>
        %add3A_514 = arith.addi %select_n3A_512, %select_n3A_513 : vector<16xi32>
        %shift_right_logical3A_515 = arith.constant 1 : i32
        %shift_right_logical3A_516 = vector.broadcast %shift_right_logical3A_515 : i32 to vector<16xi32>
        %shift_right_logical3A_517 = arith.shrui %add3A_514, %shift_right_logical3A_516 : vector<16xi32>
        %gather3A_518 = tpu.vector_load_idx %arg10[%shift_right_logical3A_517] : memref<192xf32, #tpu.memory_space<vmem>>[vector<16xi32>], vector<16xf32>,
        %le3A_519 = arith.cmpf ole, %gather3A_518, %mul3A_477 : vector<16xf32>
        %select_n3A_520 = arith.select %le3A_519, %shift_right_logical3A_517, %select_n3A_512 : vector<16xi1>, vector<16xi32>
        %select_n3A_521 = arith.select %le3A_519, %select_n3A_513, %shift_right_logical3A_517 : vector<16xi1>, vector<16xi32>
        %add3A_522 = arith.addi %select_n3A_520, %select_n3A_521 : vector<16xi32>
        %shift_right_logical3A_523 = arith.constant 1 : i32
        %shift_right_logical3A_524 = vector.broadcast %shift_right_logical3A_523 : i32 to vector<16xi32>
        %shift_right_logical3A_525 = arith.shrui %add3A_522, %shift_right_logical3A_524 : vector<16xi32>
        %gather3A_526 = tpu.vector_load_idx %arg10[%shift_right_logical3A_525] : memref<192xf32, #tpu.memory_space<vmem>>[vector<16xi32>], vector<16xf32>,
        %le3A_527 = arith.cmpf ole, %gather3A_526, %mul3A_477 : vector<16xf32>
        %select_n3A_528 = arith.select %le3A_527, %shift_right_logical3A_525, %select_n3A_520 : vector<16xi1>, vector<16xi32>
        %select_n3A_529 = arith.select %le3A_527, %select_n3A_521, %shift_right_logical3A_525 : vector<16xi1>, vector<16xi32>
        %add3A_530 = arith.addi %select_n3A_528, %select_n3A_529 : vector<16xi32>
        %shift_right_logical3A_531 = arith.constant 1 : i32
        %shift_right_logical3A_532 = vector.broadcast %shift_right_logical3A_531 : i32 to vector<16xi32>
        %shift_right_logical3A_533 = arith.shrui %add3A_530, %shift_right_logical3A_532 : vector<16xi32>
        %gather3A_534 = tpu.vector_load_idx %arg10[%shift_right_logical3A_533] : memref<192xf32, #tpu.memory_space<vmem>>[vector<16xi32>], vector<16xf32>,
        %le3A_535 = arith.cmpf ole, %gather3A_534, %mul3A_477 : vector<16xf32>
        %select_n3A_536 = arith.select %le3A_535, %shift_right_logical3A_533, %select_n3A_528 : vector<16xi1>, vector<16xi32>
        %select_n3A_537 = arith.select %le3A_535, %select_n3A_529, %shift_right_logical3A_533 : vector<16xi1>, vector<16xi32>
        %add3A_538 = arith.addi %select_n3A_536, %select_n3A_537 : vector<16xi32>
        %shift_right_logical3A_539 = arith.constant 1 : i32
        %shift_right_logical3A_540 = vector.broadcast %shift_right_logical3A_539 : i32 to vector<16xi32>
        %shift_right_logical3A_541 = arith.shrui %add3A_538, %shift_right_logical3A_540 : vector<16xi32>
        %gather3A_542 = tpu.vector_load_idx %arg10[%shift_right_logical3A_541] : memref<192xf32, #tpu.memory_space<vmem>>[vector<16xi32>], vector<16xf32>,
        %le3A_543 = arith.cmpf ole, %gather3A_542, %mul3A_477 : vector<16xf32>
        %select_n3A_544 = arith.select %le3A_543, %shift_right_logical3A_541, %select_n3A_536 : vector<16xi1>, vector<16xi32>
        %select_n3A_545 = arith.select %le3A_543, %select_n3A_537, %shift_right_logical3A_541 : vector<16xi1>, vector<16xi32>
        %min3A_546 = arith.constant 190 : i32
        %min3A_547 = vector.broadcast %min3A_546 : i32 to vector<16xi32>
        %min3A_548 = arith.minsi %select_n3A_545, %min3A_547 : vector<16xi32>
        %gather3A_549 = tpu.vector_load_idx %arg10[%select_n3A_544] : memref<192xf32, #tpu.memory_space<vmem>>[vector<16xi32>], vector<16xf32>,
        %gather3A_550 = tpu.vector_load_idx %arg10[%min3A_548] : memref<192xf32, #tpu.memory_space<vmem>>[vector<16xi32>], vector<16xf32>,
        %gather3A_551 = tpu.vector_load_idx %arg11[%select_n3A_544] : memref<192xf32, #tpu.memory_space<vmem>>[vector<16xi32>], vector<16xf32>,
        %gather3A_552 = tpu.vector_load_idx %arg11[%min3A_548] : memref<192xf32, #tpu.memory_space<vmem>>[vector<16xi32>], vector<16xf32>,
        %sub3A_553 = arith.subf %mul3A_477, %gather3A_549 : vector<16xf32>
        %sub3A_554 = arith.subf %gather3A_550, %gather3A_549 : vector<16xf32>
        %lt3A_555 = arith.cmpf olt, %sub3A_554, %mul3A_242 : vector<16xf32>
        %mul3A_556 = arith.mulf %sub3A_553, %div3A_239 : vector<16xf32>
        %div3A_557 = arith.divf %sub3A_553, %sub3A_554 : vector<16xf32>
        %select_n3A_558 = arith.select %lt3A_555, %mul3A_556, %div3A_557 : vector<16xi1>, vector<16xf32>
        %sub3A_559 = arith.subf %gather3A_552, %gather3A_551 : vector<16xf32>
        %mul3A_560 = arith.mulf %select_n3A_558, %sub3A_559 : vector<16xf32>
        %add3A_561 = arith.addf %gather3A_551, %mul3A_560 : vector<16xf32>
        %swap3A_562 = arith.index_cast %scan3A_27 : i32 to index
        %swap3A_563 = arith.constant 16 : index
        %swap3A_564 = tpu.vector_load %arg9[%swap3A_562, %swap3A_563] {strides = array<i32>} : memref<16x96xf32, #tpu.memory_space<vmem>>, vector<16xf32>,
        tpu.vector_store %arg9[%swap3A_562, %swap3A_563], %add3A_561 {strides = array<i32>} : memref<16x96xf32, #tpu.memory_space<vmem>>, vector<16xf32>,
        %get3A_565 = arith.index_cast %scan3A_27 : i32 to index
        %get3A_566 = arith.constant 32 : index
        %get3A_567 = tpu.vector_load %arg8[%get3A_565, %get3A_566] {strides = array<i32>} : memref<16x96xf32, #tpu.memory_space<vmem>>, vector<16xf32>,
        %mul3A_568 = arith.mulf %get3A_567, %gather3A_237 : vector<16xf32>
        %broadcast_in_dim3A_569 = arith.constant 0 : i32
        %broadcast_in_dim3A_570 = vector.broadcast %broadcast_in_dim3A_569 : i32 to vector<16xi32>
        %broadcast_in_dim3A_571 = arith.constant 191 : i32
        %broadcast_in_dim3A_572 = vector.broadcast %broadcast_in_dim3A_571 : i32 to vector<16xi32>
        %add3A_573 = arith.addi %broadcast_in_dim3A_570, %broadcast_in_dim3A_572 : vector<16xi32>
        %shift_right_logical3A_574 = arith.constant 1 : i32
        %shift_right_logical3A_575 = vector.broadcast %shift_right_logical3A_574 : i32 to vector<16xi32>
        %shift_right_logical3A_576 = arith.shrui %add3A_573, %shift_right_logical3A_575 : vector<16xi32>
        %gather3A_577 = tpu.vector_load_idx %arg10[%shift_right_logical3A_576] : memref<192xf32, #tpu.memory_space<vmem>>[vector<16xi32>], vector<16xf32>,
        %le3A_578 = arith.cmpf ole, %gather3A_577, %mul3A_568 : vector<16xf32>
        %select_n3A_579 = arith.select %le3A_578, %shift_right_logical3A_576, %broadcast_in_dim3A_570 : vector<16xi1>, vector<16xi32>
        %select_n3A_580 = arith.select %le3A_578, %broadcast_in_dim3A_572, %shift_right_logical3A_576 : vector<16xi1>, vector<16xi32>
        %add3A_581 = arith.addi %select_n3A_579, %select_n3A_580 : vector<16xi32>
        %shift_right_logical3A_582 = arith.constant 1 : i32
        %shift_right_logical3A_583 = vector.broadcast %shift_right_logical3A_582 : i32 to vector<16xi32>
        %shift_right_logical3A_584 = arith.shrui %add3A_581, %shift_right_logical3A_583 : vector<16xi32>
        %gather3A_585 = tpu.vector_load_idx %arg10[%shift_right_logical3A_584] : memref<192xf32, #tpu.memory_space<vmem>>[vector<16xi32>], vector<16xf32>,
        %le3A_586 = arith.cmpf ole, %gather3A_585, %mul3A_568 : vector<16xf32>
        %select_n3A_587 = arith.select %le3A_586, %shift_right_logical3A_584, %select_n3A_579 : vector<16xi1>, vector<16xi32>
        %select_n3A_588 = arith.select %le3A_586, %select_n3A_580, %shift_right_logical3A_584 : vector<16xi1>, vector<16xi32>
        %add3A_589 = arith.addi %select_n3A_587, %select_n3A_588 : vector<16xi32>
        %shift_right_logical3A_590 = arith.constant 1 : i32
        %shift_right_logical3A_591 = vector.broadcast %shift_right_logical3A_590 : i32 to vector<16xi32>
        %shift_right_logical3A_592 = arith.shrui %add3A_589, %shift_right_logical3A_591 : vector<16xi32>
        %gather3A_593 = tpu.vector_load_idx %arg10[%shift_right_logical3A_592] : memref<192xf32, #tpu.memory_space<vmem>>[vector<16xi32>], vector<16xf32>,
        %le3A_594 = arith.cmpf ole, %gather3A_593, %mul3A_568 : vector<16xf32>
        %select_n3A_595 = arith.select %le3A_594, %shift_right_logical3A_592, %select_n3A_587 : vector<16xi1>, vector<16xi32>
        %select_n3A_596 = arith.select %le3A_594, %select_n3A_588, %shift_right_logical3A_592 : vector<16xi1>, vector<16xi32>
        %add3A_597 = arith.addi %select_n3A_595, %select_n3A_596 : vector<16xi32>
        %shift_right_logical3A_598 = arith.constant 1 : i32
        %shift_right_logical3A_599 = vector.broadcast %shift_right_logical3A_598 : i32 to vector<16xi32>
        %shift_right_logical3A_600 = arith.shrui %add3A_597, %shift_right_logical3A_599 : vector<16xi32>
        %gather3A_601 = tpu.vector_load_idx %arg10[%shift_right_logical3A_600] : memref<192xf32, #tpu.memory_space<vmem>>[vector<16xi32>], vector<16xf32>,
        %le3A_602 = arith.cmpf ole, %gather3A_601, %mul3A_568 : vector<16xf32>
        %select_n3A_603 = arith.select %le3A_602, %shift_right_logical3A_600, %select_n3A_595 : vector<16xi1>, vector<16xi32>
        %select_n3A_604 = arith.select %le3A_602, %select_n3A_596, %shift_right_logical3A_600 : vector<16xi1>, vector<16xi32>
        %add3A_605 = arith.addi %select_n3A_603, %select_n3A_604 : vector<16xi32>
        %shift_right_logical3A_606 = arith.constant 1 : i32
        %shift_right_logical3A_607 = vector.broadcast %shift_right_logical3A_606 : i32 to vector<16xi32>
        %shift_right_logical3A_608 = arith.shrui %add3A_605, %shift_right_logical3A_607 : vector<16xi32>
        %gather3A_609 = tpu.vector_load_idx %arg10[%shift_right_logical3A_608] : memref<192xf32, #tpu.memory_space<vmem>>[vector<16xi32>], vector<16xf32>,
        %le3A_610 = arith.cmpf ole, %gather3A_609, %mul3A_568 : vector<16xf32>
        %select_n3A_611 = arith.select %le3A_610, %shift_right_logical3A_608, %select_n3A_603 : vector<16xi1>, vector<16xi32>
        %select_n3A_612 = arith.select %le3A_610, %select_n3A_604, %shift_right_logical3A_608 : vector<16xi1>, vector<16xi32>
        %add3A_613 = arith.addi %select_n3A_611, %select_n3A_612 : vector<16xi32>
        %shift_right_logical3A_614 = arith.constant 1 : i32
        %shift_right_logical3A_615 = vector.broadcast %shift_right_logical3A_614 : i32 to vector<16xi32>
        %shift_right_logical3A_616 = arith.shrui %add3A_613, %shift_right_logical3A_615 : vector<16xi32>
        %gather3A_617 = tpu.vector_load_idx %arg10[%shift_right_logical3A_616] : memref<192xf32, #tpu.memory_space<vmem>>[vector<16xi32>], vector<16xf32>,
        %le3A_618 = arith.cmpf ole, %gather3A_617, %mul3A_568 : vector<16xf32>
        %select_n3A_619 = arith.select %le3A_618, %shift_right_logical3A_616, %select_n3A_611 : vector<16xi1>, vector<16xi32>
        %select_n3A_620 = arith.select %le3A_618, %select_n3A_612, %shift_right_logical3A_616 : vector<16xi1>, vector<16xi32>
        %add3A_621 = arith.addi %select_n3A_619, %select_n3A_620 : vector<16xi32>
        %shift_right_logical3A_622 = arith.constant 1 : i32
        %shift_right_logical3A_623 = vector.broadcast %shift_right_logical3A_622 : i32 to vector<16xi32>
        %shift_right_logical3A_624 = arith.shrui %add3A_621, %shift_right_logical3A_623 : vector<16xi32>
        %gather3A_625 = tpu.vector_load_idx %arg10[%shift_right_logical3A_624] : memref<192xf32, #tpu.memory_space<vmem>>[vector<16xi32>], vector<16xf32>,
        %le3A_626 = arith.cmpf ole, %gather3A_625, %mul3A_568 : vector<16xf32>
        %select_n3A_627 = arith.select %le3A_626, %shift_right_logical3A_624, %select_n3A_619 : vector<16xi1>, vector<16xi32>
        %select_n3A_628 = arith.select %le3A_626, %select_n3A_620, %shift_right_logical3A_624 : vector<16xi1>, vector<16xi32>
        %add3A_629 = arith.addi %select_n3A_627, %select_n3A_628 : vector<16xi32>
        %shift_right_logical3A_630 = arith.constant 1 : i32
        %shift_right_logical3A_631 = vector.broadcast %shift_right_logical3A_630 : i32 to vector<16xi32>
        %shift_right_logical3A_632 = arith.shrui %add3A_629, %shift_right_logical3A_631 : vector<16xi32>
        %gather3A_633 = tpu.vector_load_idx %arg10[%shift_right_logical3A_632] : memref<192xf32, #tpu.memory_space<vmem>>[vector<16xi32>], vector<16xf32>,
        %le3A_634 = arith.cmpf ole, %gather3A_633, %mul3A_568 : vector<16xf32>
        %select_n3A_635 = arith.select %le3A_634, %shift_right_logical3A_632, %select_n3A_627 : vector<16xi1>, vector<16xi32>
        %select_n3A_636 = arith.select %le3A_634, %select_n3A_628, %shift_right_logical3A_632 : vector<16xi1>, vector<16xi32>
        %min3A_637 = arith.constant 190 : i32
        %min3A_638 = vector.broadcast %min3A_637 : i32 to vector<16xi32>
        %min3A_639 = arith.minsi %select_n3A_636, %min3A_638 : vector<16xi32>
        %gather3A_640 = tpu.vector_load_idx %arg10[%select_n3A_635] : memref<192xf32, #tpu.memory_space<vmem>>[vector<16xi32>], vector<16xf32>,
        %gather3A_641 = tpu.vector_load_idx %arg10[%min3A_639] : memref<192xf32, #tpu.memory_space<vmem>>[vector<16xi32>], vector<16xf32>,
        %gather3A_642 = tpu.vector_load_idx %arg11[%select_n3A_635] : memref<192xf32, #tpu.memory_space<vmem>>[vector<16xi32>], vector<16xf32>,
        %gather3A_643 = tpu.vector_load_idx %arg11[%min3A_639] : memref<192xf32, #tpu.memory_space<vmem>>[vector<16xi32>], vector<16xf32>,
        %sub3A_644 = arith.subf %mul3A_568, %gather3A_640 : vector<16xf32>
        %sub3A_645 = arith.subf %gather3A_641, %gather3A_640 : vector<16xf32>
        %lt3A_646 = arith.cmpf olt, %sub3A_645, %mul3A_242 : vector<16xf32>
        %mul3A_647 = arith.mulf %sub3A_644, %div3A_239 : vector<16xf32>
        %div3A_648 = arith.divf %sub3A_644, %sub3A_645 : vector<16xf32>
        %select_n3A_649 = arith.select %lt3A_646, %mul3A_647, %div3A_648 : vector<16xi1>, vector<16xf32>
        %sub3A_650 = arith.subf %gather3A_643, %gather3A_642 : vector<16xf32>
        %mul3A_651 = arith.mulf %select_n3A_649, %sub3A_650 : vector<16xf32>
        %add3A_652 = arith.addf %gather3A_642, %mul3A_651 : vector<16xf32>
        %swap3A_653 = arith.index_cast %scan3A_27 : i32 to index
        %swap3A_654 = arith.constant 32 : index
        %swap3A_655 = tpu.vector_load %arg9[%swap3A_653, %swap3A_654] {strides = array<i32>} : memref<16x96xf32, #tpu.memory_space<vmem>>, vector<16xf32>,
        tpu.vector_store %arg9[%swap3A_653, %swap3A_654], %add3A_652 {strides = array<i32>} : memref<16x96xf32, #tpu.memory_space<vmem>>, vector<16xf32>,
        %get3A_656 = arith.index_cast %scan3A_27 : i32 to index
        %get3A_657 = arith.constant 48 : index
        %get3A_658 = tpu.vector_load %arg8[%get3A_656, %get3A_657] {strides = array<i32>} : memref<16x96xf32, #tpu.memory_space<vmem>>, vector<16xf32>,
        %mul3A_659 = arith.mulf %get3A_658, %gather3A_237 : vector<16xf32>
        %broadcast_in_dim3A_660 = arith.constant 0 : i32
        %broadcast_in_dim3A_661 = vector.broadcast %broadcast_in_dim3A_660 : i32 to vector<16xi32>
        %broadcast_in_dim3A_662 = arith.constant 191 : i32
        %broadcast_in_dim3A_663 = vector.broadcast %broadcast_in_dim3A_662 : i32 to vector<16xi32>
        %add3A_664 = arith.addi %broadcast_in_dim3A_661, %broadcast_in_dim3A_663 : vector<16xi32>
        %shift_right_logical3A_665 = arith.constant 1 : i32
        %shift_right_logical3A_666 = vector.broadcast %shift_right_logical3A_665 : i32 to vector<16xi32>
        %shift_right_logical3A_667 = arith.shrui %add3A_664, %shift_right_logical3A_666 : vector<16xi32>
        %gather3A_668 = tpu.vector_load_idx %arg10[%shift_right_logical3A_667] : memref<192xf32, #tpu.memory_space<vmem>>[vector<16xi32>], vector<16xf32>,
        %le3A_669 = arith.cmpf ole, %gather3A_668, %mul3A_659 : vector<16xf32>
        %select_n3A_670 = arith.select %le3A_669, %shift_right_logical3A_667, %broadcast_in_dim3A_661 : vector<16xi1>, vector<16xi32>
        %select_n3A_671 = arith.select %le3A_669, %broadcast_in_dim3A_663, %shift_right_logical3A_667 : vector<16xi1>, vector<16xi32>
        %add3A_672 = arith.addi %select_n3A_670, %select_n3A_671 : vector<16xi32>
        %shift_right_logical3A_673 = arith.constant 1 : i32
        %shift_right_logical3A_674 = vector.broadcast %shift_right_logical3A_673 : i32 to vector<16xi32>
        %shift_right_logical3A_675 = arith.shrui %add3A_672, %shift_right_logical3A_674 : vector<16xi32>
        %gather3A_676 = tpu.vector_load_idx %arg10[%shift_right_logical3A_675] : memref<192xf32, #tpu.memory_space<vmem>>[vector<16xi32>], vector<16xf32>,
        %le3A_677 = arith.cmpf ole, %gather3A_676, %mul3A_659 : vector<16xf32>
        %select_n3A_678 = arith.select %le3A_677, %shift_right_logical3A_675, %select_n3A_670 : vector<16xi1>, vector<16xi32>
        %select_n3A_679 = arith.select %le3A_677, %select_n3A_671, %shift_right_logical3A_675 : vector<16xi1>, vector<16xi32>
        %add3A_680 = arith.addi %select_n3A_678, %select_n3A_679 : vector<16xi32>
        %shift_right_logical3A_681 = arith.constant 1 : i32
        %shift_right_logical3A_682 = vector.broadcast %shift_right_logical3A_681 : i32 to vector<16xi32>
        %shift_right_logical3A_683 = arith.shrui %add3A_680, %shift_right_logical3A_682 : vector<16xi32>
        %gather3A_684 = tpu.vector_load_idx %arg10[%shift_right_logical3A_683] : memref<192xf32, #tpu.memory_space<vmem>>[vector<16xi32>], vector<16xf32>,
        %le3A_685 = arith.cmpf ole, %gather3A_684, %mul3A_659 : vector<16xf32>
        %select_n3A_686 = arith.select %le3A_685, %shift_right_logical3A_683, %select_n3A_678 : vector<16xi1>, vector<16xi32>
        %select_n3A_687 = arith.select %le3A_685, %select_n3A_679, %shift_right_logical3A_683 : vector<16xi1>, vector<16xi32>
        %add3A_688 = arith.addi %select_n3A_686, %select_n3A_687 : vector<16xi32>
        %shift_right_logical3A_689 = arith.constant 1 : i32
        %shift_right_logical3A_690 = vector.broadcast %shift_right_logical3A_689 : i32 to vector<16xi32>
        %shift_right_logical3A_691 = arith.shrui %add3A_688, %shift_right_logical3A_690 : vector<16xi32>
        %gather3A_692 = tpu.vector_load_idx %arg10[%shift_right_logical3A_691] : memref<192xf32, #tpu.memory_space<vmem>>[vector<16xi32>], vector<16xf32>,
        %le3A_693 = arith.cmpf ole, %gather3A_692, %mul3A_659 : vector<16xf32>
        %select_n3A_694 = arith.select %le3A_693, %shift_right_logical3A_691, %select_n3A_686 : vector<16xi1>, vector<16xi32>
        %select_n3A_695 = arith.select %le3A_693, %select_n3A_687, %shift_right_logical3A_691 : vector<16xi1>, vector<16xi32>
        %add3A_696 = arith.addi %select_n3A_694, %select_n3A_695 : vector<16xi32>
        %shift_right_logical3A_697 = arith.constant 1 : i32
        %shift_right_logical3A_698 = vector.broadcast %shift_right_logical3A_697 : i32 to vector<16xi32>
        %shift_right_logical3A_699 = arith.shrui %add3A_696, %shift_right_logical3A_698 : vector<16xi32>
        %gather3A_700 = tpu.vector_load_idx %arg10[%shift_right_logical3A_699] : memref<192xf32, #tpu.memory_space<vmem>>[vector<16xi32>], vector<16xf32>,
        %le3A_701 = arith.cmpf ole, %gather3A_700, %mul3A_659 : vector<16xf32>
        %select_n3A_702 = arith.select %le3A_701, %shift_right_logical3A_699, %select_n3A_694 : vector<16xi1>, vector<16xi32>
        %select_n3A_703 = arith.select %le3A_701, %select_n3A_695, %shift_right_logical3A_699 : vector<16xi1>, vector<16xi32>
        %add3A_704 = arith.addi %select_n3A_702, %select_n3A_703 : vector<16xi32>
        %shift_right_logical3A_705 = arith.constant 1 : i32
        %shift_right_logical3A_706 = vector.broadcast %shift_right_logical3A_705 : i32 to vector<16xi32>
        %shift_right_logical3A_707 = arith.shrui %add3A_704, %shift_right_logical3A_706 : vector<16xi32>
        %gather3A_708 = tpu.vector_load_idx %arg10[%shift_right_logical3A_707] : memref<192xf32, #tpu.memory_space<vmem>>[vector<16xi32>], vector<16xf32>,
        %le3A_709 = arith.cmpf ole, %gather3A_708, %mul3A_659 : vector<16xf32>
        %select_n3A_710 = arith.select %le3A_709, %shift_right_logical3A_707, %select_n3A_702 : vector<16xi1>, vector<16xi32>
        %select_n3A_711 = arith.select %le3A_709, %select_n3A_703, %shift_right_logical3A_707 : vector<16xi1>, vector<16xi32>
        %add3A_712 = arith.addi %select_n3A_710, %select_n3A_711 : vector<16xi32>
        %shift_right_logical3A_713 = arith.constant 1 : i32
        %shift_right_logical3A_714 = vector.broadcast %shift_right_logical3A_713 : i32 to vector<16xi32>
        %shift_right_logical3A_715 = arith.shrui %add3A_712, %shift_right_logical3A_714 : vector<16xi32>
        %gather3A_716 = tpu.vector_load_idx %arg10[%shift_right_logical3A_715] : memref<192xf32, #tpu.memory_space<vmem>>[vector<16xi32>], vector<16xf32>,
        %le3A_717 = arith.cmpf ole, %gather3A_716, %mul3A_659 : vector<16xf32>
        %select_n3A_718 = arith.select %le3A_717, %shift_right_logical3A_715, %select_n3A_710 : vector<16xi1>, vector<16xi32>
        %select_n3A_719 = arith.select %le3A_717, %select_n3A_711, %shift_right_logical3A_715 : vector<16xi1>, vector<16xi32>
        %add3A_720 = arith.addi %select_n3A_718, %select_n3A_719 : vector<16xi32>
        %shift_right_logical3A_721 = arith.constant 1 : i32
        %shift_right_logical3A_722 = vector.broadcast %shift_right_logical3A_721 : i32 to vector<16xi32>
        %shift_right_logical3A_723 = arith.shrui %add3A_720, %shift_right_logical3A_722 : vector<16xi32>
        %gather3A_724 = tpu.vector_load_idx %arg10[%shift_right_logical3A_723] : memref<192xf32, #tpu.memory_space<vmem>>[vector<16xi32>], vector<16xf32>,
        %le3A_725 = arith.cmpf ole, %gather3A_724, %mul3A_659 : vector<16xf32>
        %select_n3A_726 = arith.select %le3A_725, %shift_right_logical3A_723, %select_n3A_718 : vector<16xi1>, vector<16xi32>
        %select_n3A_727 = arith.select %le3A_725, %select_n3A_719, %shift_right_logical3A_723 : vector<16xi1>, vector<16xi32>
        %min3A_728 = arith.constant 190 : i32
        %min3A_729 = vector.broadcast %min3A_728 : i32 to vector<16xi32>
        %min3A_730 = arith.minsi %select_n3A_727, %min3A_729 : vector<16xi32>
        %gather3A_731 = tpu.vector_load_idx %arg10[%select_n3A_726] : memref<192xf32, #tpu.memory_space<vmem>>[vector<16xi32>], vector<16xf32>,
        %gather3A_732 = tpu.vector_load_idx %arg10[%min3A_730] : memref<192xf32, #tpu.memory_space<vmem>>[vector<16xi32>], vector<16xf32>,
        %gather3A_733 = tpu.vector_load_idx %arg11[%select_n3A_726] : memref<192xf32, #tpu.memory_space<vmem>>[vector<16xi32>], vector<16xf32>,
        %gather3A_734 = tpu.vector_load_idx %arg11[%min3A_730] : memref<192xf32, #tpu.memory_space<vmem>>[vector<16xi32>], vector<16xf32>,
        %sub3A_735 = arith.subf %mul3A_659, %gather3A_731 : vector<16xf32>
        %sub3A_736 = arith.subf %gather3A_732, %gather3A_731 : vector<16xf32>
        %lt3A_737 = arith.cmpf olt, %sub3A_736, %mul3A_242 : vector<16xf32>
        %mul3A_738 = arith.mulf %sub3A_735, %div3A_239 : vector<16xf32>
        %div3A_739 = arith.divf %sub3A_735, %sub3A_736 : vector<16xf32>
        %select_n3A_740 = arith.select %lt3A_737, %mul3A_738, %div3A_739 : vector<16xi1>, vector<16xf32>
        %sub3A_741 = arith.subf %gather3A_734, %gather3A_733 : vector<16xf32>
        %mul3A_742 = arith.mulf %select_n3A_740, %sub3A_741 : vector<16xf32>
        %add3A_743 = arith.addf %gather3A_733, %mul3A_742 : vector<16xf32>
        %swap3A_744 = arith.index_cast %scan3A_27 : i32 to index
        %swap3A_745 = arith.constant 48 : index
        %swap3A_746 = tpu.vector_load %arg9[%swap3A_744, %swap3A_745] {strides = array<i32>} : memref<16x96xf32, #tpu.memory_space<vmem>>, vector<16xf32>,
        tpu.vector_store %arg9[%swap3A_744, %swap3A_745], %add3A_743 {strides = array<i32>} : memref<16x96xf32, #tpu.memory_space<vmem>>, vector<16xf32>,
        %get3A_747 = arith.index_cast %scan3A_27 : i32 to index
        %get3A_748 = arith.constant 64 : index
        %get3A_749 = tpu.vector_load %arg8[%get3A_747, %get3A_748] {strides = array<i32>} : memref<16x96xf32, #tpu.memory_space<vmem>>, vector<16xf32>,
        %mul3A_750 = arith.mulf %get3A_749, %gather3A_237 : vector<16xf32>
        %broadcast_in_dim3A_751 = arith.constant 0 : i32
        %broadcast_in_dim3A_752 = vector.broadcast %broadcast_in_dim3A_751 : i32 to vector<16xi32>
        %broadcast_in_dim3A_753 = arith.constant 191 : i32
        %broadcast_in_dim3A_754 = vector.broadcast %broadcast_in_dim3A_753 : i32 to vector<16xi32>
        %add3A_755 = arith.addi %broadcast_in_dim3A_752, %broadcast_in_dim3A_754 : vector<16xi32>
        %shift_right_logical3A_756 = arith.constant 1 : i32
        %shift_right_logical3A_757 = vector.broadcast %shift_right_logical3A_756 : i32 to vector<16xi32>
        %shift_right_logical3A_758 = arith.shrui %add3A_755, %shift_right_logical3A_757 : vector<16xi32>
        %gather3A_759 = tpu.vector_load_idx %arg10[%shift_right_logical3A_758] : memref<192xf32, #tpu.memory_space<vmem>>[vector<16xi32>], vector<16xf32>,
        %le3A_760 = arith.cmpf ole, %gather3A_759, %mul3A_750 : vector<16xf32>
        %select_n3A_761 = arith.select %le3A_760, %shift_right_logical3A_758, %broadcast_in_dim3A_752 : vector<16xi1>, vector<16xi32>
        %select_n3A_762 = arith.select %le3A_760, %broadcast_in_dim3A_754, %shift_right_logical3A_758 : vector<16xi1>, vector<16xi32>
        %add3A_763 = arith.addi %select_n3A_761, %select_n3A_762 : vector<16xi32>
        %shift_right_logical3A_764 = arith.constant 1 : i32
        %shift_right_logical3A_765 = vector.broadcast %shift_right_logical3A_764 : i32 to vector<16xi32>
        %shift_right_logical3A_766 = arith.shrui %add3A_763, %shift_right_logical3A_765 : vector<16xi32>
        %gather3A_767 = tpu.vector_load_idx %arg10[%shift_right_logical3A_766] : memref<192xf32, #tpu.memory_space<vmem>>[vector<16xi32>], vector<16xf32>,
        %le3A_768 = arith.cmpf ole, %gather3A_767, %mul3A_750 : vector<16xf32>
        %select_n3A_769 = arith.select %le3A_768, %shift_right_logical3A_766, %select_n3A_761 : vector<16xi1>, vector<16xi32>
        %select_n3A_770 = arith.select %le3A_768, %select_n3A_762, %shift_right_logical3A_766 : vector<16xi1>, vector<16xi32>
        %add3A_771 = arith.addi %select_n3A_769, %select_n3A_770 : vector<16xi32>
        %shift_right_logical3A_772 = arith.constant 1 : i32
        %shift_right_logical3A_773 = vector.broadcast %shift_right_logical3A_772 : i32 to vector<16xi32>
        %shift_right_logical3A_774 = arith.shrui %add3A_771, %shift_right_logical3A_773 : vector<16xi32>
        %gather3A_775 = tpu.vector_load_idx %arg10[%shift_right_logical3A_774] : memref<192xf32, #tpu.memory_space<vmem>>[vector<16xi32>], vector<16xf32>,
        %le3A_776 = arith.cmpf ole, %gather3A_775, %mul3A_750 : vector<16xf32>
        %select_n3A_777 = arith.select %le3A_776, %shift_right_logical3A_774, %select_n3A_769 : vector<16xi1>, vector<16xi32>
        %select_n3A_778 = arith.select %le3A_776, %select_n3A_770, %shift_right_logical3A_774 : vector<16xi1>, vector<16xi32>
        %add3A_779 = arith.addi %select_n3A_777, %select_n3A_778 : vector<16xi32>
        %shift_right_logical3A_780 = arith.constant 1 : i32
        %shift_right_logical3A_781 = vector.broadcast %shift_right_logical3A_780 : i32 to vector<16xi32>
        %shift_right_logical3A_782 = arith.shrui %add3A_779, %shift_right_logical3A_781 : vector<16xi32>
        %gather3A_783 = tpu.vector_load_idx %arg10[%shift_right_logical3A_782] : memref<192xf32, #tpu.memory_space<vmem>>[vector<16xi32>], vector<16xf32>,
        %le3A_784 = arith.cmpf ole, %gather3A_783, %mul3A_750 : vector<16xf32>
        %select_n3A_785 = arith.select %le3A_784, %shift_right_logical3A_782, %select_n3A_777 : vector<16xi1>, vector<16xi32>
        %select_n3A_786 = arith.select %le3A_784, %select_n3A_778, %shift_right_logical3A_782 : vector<16xi1>, vector<16xi32>
        %add3A_787 = arith.addi %select_n3A_785, %select_n3A_786 : vector<16xi32>
        %shift_right_logical3A_788 = arith.constant 1 : i32
        %shift_right_logical3A_789 = vector.broadcast %shift_right_logical3A_788 : i32 to vector<16xi32>
        %shift_right_logical3A_790 = arith.shrui %add3A_787, %shift_right_logical3A_789 : vector<16xi32>
        %gather3A_791 = tpu.vector_load_idx %arg10[%shift_right_logical3A_790] : memref<192xf32, #tpu.memory_space<vmem>>[vector<16xi32>], vector<16xf32>,
        %le3A_792 = arith.cmpf ole, %gather3A_791, %mul3A_750 : vector<16xf32>
        %select_n3A_793 = arith.select %le3A_792, %shift_right_logical3A_790, %select_n3A_785 : vector<16xi1>, vector<16xi32>
        %select_n3A_794 = arith.select %le3A_792, %select_n3A_786, %shift_right_logical3A_790 : vector<16xi1>, vector<16xi32>
        %add3A_795 = arith.addi %select_n3A_793, %select_n3A_794 : vector<16xi32>
        %shift_right_logical3A_796 = arith.constant 1 : i32
        %shift_right_logical3A_797 = vector.broadcast %shift_right_logical3A_796 : i32 to vector<16xi32>
        %shift_right_logical3A_798 = arith.shrui %add3A_795, %shift_right_logical3A_797 : vector<16xi32>
        %gather3A_799 = tpu.vector_load_idx %arg10[%shift_right_logical3A_798] : memref<192xf32, #tpu.memory_space<vmem>>[vector<16xi32>], vector<16xf32>,
        %le3A_800 = arith.cmpf ole, %gather3A_799, %mul3A_750 : vector<16xf32>
        %select_n3A_801 = arith.select %le3A_800, %shift_right_logical3A_798, %select_n3A_793 : vector<16xi1>, vector<16xi32>
        %select_n3A_802 = arith.select %le3A_800, %select_n3A_794, %shift_right_logical3A_798 : vector<16xi1>, vector<16xi32>
        %add3A_803 = arith.addi %select_n3A_801, %select_n3A_802 : vector<16xi32>
        %shift_right_logical3A_804 = arith.constant 1 : i32
        %shift_right_logical3A_805 = vector.broadcast %shift_right_logical3A_804 : i32 to vector<16xi32>
        %shift_right_logical3A_806 = arith.shrui %add3A_803, %shift_right_logical3A_805 : vector<16xi32>
        %gather3A_807 = tpu.vector_load_idx %arg10[%shift_right_logical3A_806] : memref<192xf32, #tpu.memory_space<vmem>>[vector<16xi32>], vector<16xf32>,
        %le3A_808 = arith.cmpf ole, %gather3A_807, %mul3A_750 : vector<16xf32>
        %select_n3A_809 = arith.select %le3A_808, %shift_right_logical3A_806, %select_n3A_801 : vector<16xi1>, vector<16xi32>
        %select_n3A_810 = arith.select %le3A_808, %select_n3A_802, %shift_right_logical3A_806 : vector<16xi1>, vector<16xi32>
        %add3A_811 = arith.addi %select_n3A_809, %select_n3A_810 : vector<16xi32>
        %shift_right_logical3A_812 = arith.constant 1 : i32
        %shift_right_logical3A_813 = vector.broadcast %shift_right_logical3A_812 : i32 to vector<16xi32>
        %shift_right_logical3A_814 = arith.shrui %add3A_811, %shift_right_logical3A_813 : vector<16xi32>
        %gather3A_815 = tpu.vector_load_idx %arg10[%shift_right_logical3A_814] : memref<192xf32, #tpu.memory_space<vmem>>[vector<16xi32>], vector<16xf32>,
        %le3A_816 = arith.cmpf ole, %gather3A_815, %mul3A_750 : vector<16xf32>
        %select_n3A_817 = arith.select %le3A_816, %shift_right_logical3A_814, %select_n3A_809 : vector<16xi1>, vector<16xi32>
        %select_n3A_818 = arith.select %le3A_816, %select_n3A_810, %shift_right_logical3A_814 : vector<16xi1>, vector<16xi32>
        %min3A_819 = arith.constant 190 : i32
        %min3A_820 = vector.broadcast %min3A_819 : i32 to vector<16xi32>
        %min3A_821 = arith.minsi %select_n3A_818, %min3A_820 : vector<16xi32>
        %gather3A_822 = tpu.vector_load_idx %arg10[%select_n3A_817] : memref<192xf32, #tpu.memory_space<vmem>>[vector<16xi32>], vector<16xf32>,
        %gather3A_823 = tpu.vector_load_idx %arg10[%min3A_821] : memref<192xf32, #tpu.memory_space<vmem>>[vector<16xi32>], vector<16xf32>,
        %gather3A_824 = tpu.vector_load_idx %arg11[%select_n3A_817] : memref<192xf32, #tpu.memory_space<vmem>>[vector<16xi32>], vector<16xf32>,
        %gather3A_825 = tpu.vector_load_idx %arg11[%min3A_821] : memref<192xf32, #tpu.memory_space<vmem>>[vector<16xi32>], vector<16xf32>,
        %sub3A_826 = arith.subf %mul3A_750, %gather3A_822 : vector<16xf32>
        %sub3A_827 = arith.subf %gather3A_823, %gather3A_822 : vector<16xf32>
        %lt3A_828 = arith.cmpf olt, %sub3A_827, %mul3A_242 : vector<16xf32>
        %mul3A_829 = arith.mulf %sub3A_826, %div3A_239 : vector<16xf32>
        %div3A_830 = arith.divf %sub3A_826, %sub3A_827 : vector<16xf32>
        %select_n3A_831 = arith.select %lt3A_828, %mul3A_829, %div3A_830 : vector<16xi1>, vector<16xf32>
        %sub3A_832 = arith.subf %gather3A_825, %gather3A_824 : vector<16xf32>
        %mul3A_833 = arith.mulf %select_n3A_831, %sub3A_832 : vector<16xf32>
        %add3A_834 = arith.addf %gather3A_824, %mul3A_833 : vector<16xf32>
        %swap3A_835 = arith.index_cast %scan3A_27 : i32 to index
        %swap3A_836 = arith.constant 64 : index
        %swap3A_837 = tpu.vector_load %arg9[%swap3A_835, %swap3A_836] {strides = array<i32>} : memref<16x96xf32, #tpu.memory_space<vmem>>, vector<16xf32>,
        tpu.vector_store %arg9[%swap3A_835, %swap3A_836], %add3A_834 {strides = array<i32>} : memref<16x96xf32, #tpu.memory_space<vmem>>, vector<16xf32>,
        %get3A_838 = arith.index_cast %scan3A_27 : i32 to index
        %get3A_839 = arith.constant 80 : index
        %get3A_840 = tpu.vector_load %arg8[%get3A_838, %get3A_839] {strides = array<i32>} : memref<16x96xf32, #tpu.memory_space<vmem>>, vector<16xf32>,
        %mul3A_841 = arith.mulf %get3A_840, %gather3A_237 : vector<16xf32>
        %broadcast_in_dim3A_842 = arith.constant 0 : i32
        %broadcast_in_dim3A_843 = vector.broadcast %broadcast_in_dim3A_842 : i32 to vector<16xi32>
        %broadcast_in_dim3A_844 = arith.constant 191 : i32
        %broadcast_in_dim3A_845 = vector.broadcast %broadcast_in_dim3A_844 : i32 to vector<16xi32>
        %add3A_846 = arith.addi %broadcast_in_dim3A_843, %broadcast_in_dim3A_845 : vector<16xi32>
        %shift_right_logical3A_847 = arith.constant 1 : i32
        %shift_right_logical3A_848 = vector.broadcast %shift_right_logical3A_847 : i32 to vector<16xi32>
        %shift_right_logical3A_849 = arith.shrui %add3A_846, %shift_right_logical3A_848 : vector<16xi32>
        %gather3A_850 = tpu.vector_load_idx %arg10[%shift_right_logical3A_849] : memref<192xf32, #tpu.memory_space<vmem>>[vector<16xi32>], vector<16xf32>,
        %le3A_851 = arith.cmpf ole, %gather3A_850, %mul3A_841 : vector<16xf32>
        %select_n3A_852 = arith.select %le3A_851, %shift_right_logical3A_849, %broadcast_in_dim3A_843 : vector<16xi1>, vector<16xi32>
        %select_n3A_853 = arith.select %le3A_851, %broadcast_in_dim3A_845, %shift_right_logical3A_849 : vector<16xi1>, vector<16xi32>
        %add3A_854 = arith.addi %select_n3A_852, %select_n3A_853 : vector<16xi32>
        %shift_right_logical3A_855 = arith.constant 1 : i32
        %shift_right_logical3A_856 = vector.broadcast %shift_right_logical3A_855 : i32 to vector<16xi32>
        %shift_right_logical3A_857 = arith.shrui %add3A_854, %shift_right_logical3A_856 : vector<16xi32>
        %gather3A_858 = tpu.vector_load_idx %arg10[%shift_right_logical3A_857] : memref<192xf32, #tpu.memory_space<vmem>>[vector<16xi32>], vector<16xf32>,
        %le3A_859 = arith.cmpf ole, %gather3A_858, %mul3A_841 : vector<16xf32>
        %select_n3A_860 = arith.select %le3A_859, %shift_right_logical3A_857, %select_n3A_852 : vector<16xi1>, vector<16xi32>
        %select_n3A_861 = arith.select %le3A_859, %select_n3A_853, %shift_right_logical3A_857 : vector<16xi1>, vector<16xi32>
        %add3A_862 = arith.addi %select_n3A_860, %select_n3A_861 : vector<16xi32>
        %shift_right_logical3A_863 = arith.constant 1 : i32
        %shift_right_logical3A_864 = vector.broadcast %shift_right_logical3A_863 : i32 to vector<16xi32>
        %shift_right_logical3A_865 = arith.shrui %add3A_862, %shift_right_logical3A_864 : vector<16xi32>
        %gather3A_866 = tpu.vector_load_idx %arg10[%shift_right_logical3A_865] : memref<192xf32, #tpu.memory_space<vmem>>[vector<16xi32>], vector<16xf32>,
        %le3A_867 = arith.cmpf ole, %gather3A_866, %mul3A_841 : vector<16xf32>
        %select_n3A_868 = arith.select %le3A_867, %shift_right_logical3A_865, %select_n3A_860 : vector<16xi1>, vector<16xi32>
        %select_n3A_869 = arith.select %le3A_867, %select_n3A_861, %shift_right_logical3A_865 : vector<16xi1>, vector<16xi32>
        %add3A_870 = arith.addi %select_n3A_868, %select_n3A_869 : vector<16xi32>
        %shift_right_logical3A_871 = arith.constant 1 : i32
        %shift_right_logical3A_872 = vector.broadcast %shift_right_logical3A_871 : i32 to vector<16xi32>
        %shift_right_logical3A_873 = arith.shrui %add3A_870, %shift_right_logical3A_872 : vector<16xi32>
        %gather3A_874 = tpu.vector_load_idx %arg10[%shift_right_logical3A_873] : memref<192xf32, #tpu.memory_space<vmem>>[vector<16xi32>], vector<16xf32>,
        %le3A_875 = arith.cmpf ole, %gather3A_874, %mul3A_841 : vector<16xf32>
        %select_n3A_876 = arith.select %le3A_875, %shift_right_logical3A_873, %select_n3A_868 : vector<16xi1>, vector<16xi32>
        %select_n3A_877 = arith.select %le3A_875, %select_n3A_869, %shift_right_logical3A_873 : vector<16xi1>, vector<16xi32>
        %add3A_878 = arith.addi %select_n3A_876, %select_n3A_877 : vector<16xi32>
        %shift_right_logical3A_879 = arith.constant 1 : i32
        %shift_right_logical3A_880 = vector.broadcast %shift_right_logical3A_879 : i32 to vector<16xi32>
        %shift_right_logical3A_881 = arith.shrui %add3A_878, %shift_right_logical3A_880 : vector<16xi32>
        %gather3A_882 = tpu.vector_load_idx %arg10[%shift_right_logical3A_881] : memref<192xf32, #tpu.memory_space<vmem>>[vector<16xi32>], vector<16xf32>,
        %le3A_883 = arith.cmpf ole, %gather3A_882, %mul3A_841 : vector<16xf32>
        %select_n3A_884 = arith.select %le3A_883, %shift_right_logical3A_881, %select_n3A_876 : vector<16xi1>, vector<16xi32>
        %select_n3A_885 = arith.select %le3A_883, %select_n3A_877, %shift_right_logical3A_881 : vector<16xi1>, vector<16xi32>
        %add3A_886 = arith.addi %select_n3A_884, %select_n3A_885 : vector<16xi32>
        %shift_right_logical3A_887 = arith.constant 1 : i32
        %shift_right_logical3A_888 = vector.broadcast %shift_right_logical3A_887 : i32 to vector<16xi32>
        %shift_right_logical3A_889 = arith.shrui %add3A_886, %shift_right_logical3A_888 : vector<16xi32>
        %gather3A_890 = tpu.vector_load_idx %arg10[%shift_right_logical3A_889] : memref<192xf32, #tpu.memory_space<vmem>>[vector<16xi32>], vector<16xf32>,
        %le3A_891 = arith.cmpf ole, %gather3A_890, %mul3A_841 : vector<16xf32>
        %select_n3A_892 = arith.select %le3A_891, %shift_right_logical3A_889, %select_n3A_884 : vector<16xi1>, vector<16xi32>
        %select_n3A_893 = arith.select %le3A_891, %select_n3A_885, %shift_right_logical3A_889 : vector<16xi1>, vector<16xi32>
        %add3A_894 = arith.addi %select_n3A_892, %select_n3A_893 : vector<16xi32>
        %shift_right_logical3A_895 = arith.constant 1 : i32
        %shift_right_logical3A_896 = vector.broadcast %shift_right_logical3A_895 : i32 to vector<16xi32>
        %shift_right_logical3A_897 = arith.shrui %add3A_894, %shift_right_logical3A_896 : vector<16xi32>
        %gather3A_898 = tpu.vector_load_idx %arg10[%shift_right_logical3A_897] : memref<192xf32, #tpu.memory_space<vmem>>[vector<16xi32>], vector<16xf32>,
        %le3A_899 = arith.cmpf ole, %gather3A_898, %mul3A_841 : vector<16xf32>
        %select_n3A_900 = arith.select %le3A_899, %shift_right_logical3A_897, %select_n3A_892 : vector<16xi1>, vector<16xi32>
        %select_n3A_901 = arith.select %le3A_899, %select_n3A_893, %shift_right_logical3A_897 : vector<16xi1>, vector<16xi32>
        %add3A_902 = arith.addi %select_n3A_900, %select_n3A_901 : vector<16xi32>
        %shift_right_logical3A_903 = arith.constant 1 : i32
        %shift_right_logical3A_904 = vector.broadcast %shift_right_logical3A_903 : i32 to vector<16xi32>
        %shift_right_logical3A_905 = arith.shrui %add3A_902, %shift_right_logical3A_904 : vector<16xi32>
        %gather3A_906 = tpu.vector_load_idx %arg10[%shift_right_logical3A_905] : memref<192xf32, #tpu.memory_space<vmem>>[vector<16xi32>], vector<16xf32>,
        %le3A_907 = arith.cmpf ole, %gather3A_906, %mul3A_841 : vector<16xf32>
        %select_n3A_908 = arith.select %le3A_907, %shift_right_logical3A_905, %select_n3A_900 : vector<16xi1>, vector<16xi32>
        %select_n3A_909 = arith.select %le3A_907, %select_n3A_901, %shift_right_logical3A_905 : vector<16xi1>, vector<16xi32>
        %min3A_910 = arith.constant 190 : i32
        %min3A_911 = vector.broadcast %min3A_910 : i32 to vector<16xi32>
        %min3A_912 = arith.minsi %select_n3A_909, %min3A_911 : vector<16xi32>
        %gather3A_913 = tpu.vector_load_idx %arg10[%select_n3A_908] : memref<192xf32, #tpu.memory_space<vmem>>[vector<16xi32>], vector<16xf32>,
        %gather3A_914 = tpu.vector_load_idx %arg10[%min3A_912] : memref<192xf32, #tpu.memory_space<vmem>>[vector<16xi32>], vector<16xf32>,
        %gather3A_915 = tpu.vector_load_idx %arg11[%select_n3A_908] : memref<192xf32, #tpu.memory_space<vmem>>[vector<16xi32>], vector<16xf32>,
        %gather3A_916 = tpu.vector_load_idx %arg11[%min3A_912] : memref<192xf32, #tpu.memory_space<vmem>>[vector<16xi32>], vector<16xf32>,
        %sub3A_917 = arith.subf %mul3A_841, %gather3A_913 : vector<16xf32>
        %sub3A_918 = arith.subf %gather3A_914, %gather3A_913 : vector<16xf32>
        %lt3A_919 = arith.cmpf olt, %sub3A_918, %mul3A_242 : vector<16xf32>
        %mul3A_920 = arith.mulf %sub3A_917, %div3A_239 : vector<16xf32>
        %div3A_921 = arith.divf %sub3A_917, %sub3A_918 : vector<16xf32>
        %select_n3A_922 = arith.select %lt3A_919, %mul3A_920, %div3A_921 : vector<16xi1>, vector<16xf32>
        %sub3A_923 = arith.subf %gather3A_916, %gather3A_915 : vector<16xf32>
        %mul3A_924 = arith.mulf %select_n3A_922, %sub3A_923 : vector<16xf32>
        %add3A_925 = arith.addf %gather3A_915, %mul3A_924 : vector<16xf32>
        %swap3A_926 = arith.index_cast %scan3A_27 : i32 to index
        %swap3A_927 = arith.constant 80 : index
        %swap3A_928 = tpu.vector_load %arg9[%swap3A_926, %swap3A_927] {strides = array<i32>} : memref<16x96xf32, #tpu.memory_space<vmem>>, vector<16xf32>,
        tpu.vector_store %arg9[%swap3A_926, %swap3A_927], %add3A_925 {strides = array<i32>} : memref<16x96xf32, #tpu.memory_space<vmem>>, vector<16xf32>,
        %scan3A_929 = arith.constant 0 : i32
        scf.yield %scan3A_929 : i32
      }
      %scan3A_25 = arith.constant 16 : i32
      "tpu.region"() ({
        %run_scoped3A = tpu.sem_alloc : memref<!tpu.dma_semaphore, #tpu.memory_space<semaphore_mem>>
        %dma_start3A = arith.constant 0 : i32
        %dma_start3A_27 = tpu.memref_slice %arg5[%add3A_18, %dma_start3A] : memref<65536x96xf32, #tpu.memory_space<hbm>> -> memref<16x96xf32, #tpu.memory_space<hbm>>
        %dma_start3A_28 = arith.constant 0 : i32
        %dma_start3A_29 = tpu.memref_slice %arg5[%add3A_18, %dma_start3A_28] : memref<65536x96xf32, #tpu.memory_space<hbm>> -> memref<16x96xf32, #tpu.memory_space<hbm>>
        tpu.enqueue_dma source(%arg9 : memref<16x96xf32, #tpu.memory_space<vmem>>) target(%dma_start3A_29 : memref<16x96xf32, #tpu.memory_space<hbm>>) target_semaphore(%run_scoped3A : memref<!tpu.dma_semaphore, #tpu.memory_space<semaphore_mem>>)
        %dma_wait3A = arith.constant 0 : i32
        %dma_wait3A_30 = tpu.memref_slice %arg5[%add3A_18, %dma_wait3A] : memref<65536x96xf32, #tpu.memory_space<hbm>> -> memref<16x96xf32, #tpu.memory_space<hbm>>
        %dma_wait3A_31 = arith.constant 0 : i32
        %dma_wait3A_32 = tpu.memref_slice %arg5[%add3A_18, %dma_wait3A_31] : memref<65536x96xf32, #tpu.memory_space<hbm>> -> memref<16x96xf32, #tpu.memory_space<hbm>>
        tpu.wait_dma2 semaphore(%run_scoped3A : memref<!tpu.dma_semaphore, #tpu.memory_space<semaphore_mem>>) src(%arg9 : memref<16x96xf32, #tpu.memory_space<vmem>>) dst(%dma_wait3A_32 : memref<16x96xf32, #tpu.memory_space<hbm>>)
        tpu.yield
      }) : () -> ()
      %scan3A_26 = arith.constant 0 : i32
      scf.yield %scan3A_26 : i32
    }
    %scan3A_13 = arith.constant 128 : i32
    return
  }
}

</mosaic_0001>

<sc_bundles>
// kernel: kernel.3.cloned.1.call-start
scs
__scs_entry_jumppad:
0x0: {  	(pc) =	sbr.rel $0x88, $3  }
0x1: {  	(tag) =	ssettag $0x0;
	lr =	simm.s32 $0x1  }
0x2: {  	[smem:$0x3F9E] =	sst lr;
	_ =	strace $0xD0000000  }
0x3: {  	_ = 	snop  }
0x4: {  	_ = 	snop  }
0x5: {  	_ = 	snop  }
0x6: {  	_ = 	snop  }
0x7: {  	_ = 	snop  }
__scs_overlays_trampoline_lowered:
0x8: {  	[smem:$0x3FAD] =	sst s0  }
0x9: {  	[smem:$0x3FAE] =	sst s1  }
0xa: {  	[smem:$0x3FAF] =	sst s2  }
0xb: {  	[smem:$0x3FB0] =	sst s3  }
0xc: {  	[smem:$0x3FB1] =	sst s4  }
0xd: {  	[smem:$0x3FB2] =	sst s5  }
0xe: {  	[smem:$0x3FB3] =	sst s6  }
0xf: {  	[smem:$0x3FB4] =	sst s7  }
0x10: {  	[smem:$0x3FB5] =	sst s8  }
0x11: {  	[smem:$0x3FB6] =	sst s9;
	s0 =	simm.s32 @!p0 $0x0  }
0x12: {  	s1 =	sld [smem:$0x3F9C];
	s0 =	simm.s32 @p0 $0x1  }
0x13: {  	[smem:$0x3FB7] =	sst s0;
	s0 =	simm.s32 @!p1 $0x0  }
0x14: {  	s2 =	sld [smem:$0x3F9B];
	s0 =	simm.s32 @p1 $0x1  }
0x15: {  	[smem:$0x3FB8] =	sst s0;
	s0 =	simm.s32 @!p2 $0x0  }
0x16: {  	s3 =	sld [smem:$0x3FDB];
	s0 =	simm.s32 @p2 $0x1  }
0x17: {  	s4 =	simm.s32 $0x1BF5;
	[smem:$0x3FBA] =	sst s0  }
0x18: {  	s0 =	sld [smem:$0x3F9D];
	_ =	swait.ge [sflag:s4], $0x0  }
0x19: {  	s7 =	sld [smem:$0x3F9E]  }
0x1a: {  	s8 =	sadd.s32 $0xFFFFE003, lr  }
0x1b: {  	s9 =	sadd.s32 $0xFFFFFEF7, lr;
	s5 =	simm.s32 $0xFFFFFFFF;
	p2 =	slt.u32 s8, $0xFFFFF086  }
0x1c: {  	p1 =	slt.u32 s9, $0xF7A;
	s5 =	simm.s32 @!p2 $0x0  }
0x1d: {  	s5 =	simm.s32 @p1 $0x1;
	p0 =	seq.s32 s7, s2  }
0x1e: {  	s7 =	smul.u32 @!p0 $0xF7A, s2;
	p2 =	seq.s32 @!p0 s5, $0x0  }
0x1f: {  	s9 =	smul.u32 $0xF7A, s1;
	s8 =	simm.s32 @!p0 $0x1BF5;
	p2 =	por !p2, p0  }
0x20: {  	[sflag:s8] =	ssyncset.s32 @!p0 $0xFFFFF086;
	s6 =	sadd.s32 @!p0 s3, s7;
	s7 =	simm.s32 @!p0 $0x108  }
0x21: {  	s3 =	sadd.s32 s3, s9;
	s6 =	sadd.s32 @!p0 $0x88, s6;
	s7 =	simm.s32 @p2 $0x1082  }
0x22: {  	[simem:s7], [sflag:s8] =	dma.local @!p0 [hbm:s6], $0xF7A  }
0x23: {  	s9 =	sor.u32 $0xD0000000, s2;
	s6 =	simm.s32 $0x108;
	_ =	swait.ge @!p0 [sflag:s8], $0x0  }
0x24: {  	s3 =	sadd.s32 $0x88, s3;
	s6 =	simm.s32 @!p1 $0x1082;
	[sflag:s4] =	ssyncset.s32 $0xFFFFF086  }
0x25: {  	[simem:s6], [sflag:s4] =	dma.local [hbm:s3], $0xF7A  }
0x26: {  	[smem:$0x3F9E] =	sst s1;
	(tag) =	ssettag s2;
	_ =	strace s9  }
0x27: {  	s1 =	sld [smem:$0x3FAE]  }
0x28: {  	s2 =	sld [smem:$0x3FAF]  }
0x29: {  	s4 =	sld [smem:$0x3FB1]  }
0x2a: {  	p0 =	seq.s32 s5, $0x0;
	s5 =	sld [smem:$0x3FB2]  }
0x2b: {  	s6 =	sld [smem:$0x3FB3]  }
0x2c: {  	s7 =	sld [smem:$0x3FB4]  }
0x2d: {  	s3 =	simm.s32 $0x108;
	s8 =	sld [smem:$0x3FB5]  }
0x2e: {  	s3 =	simm.s32 @!p0 $0x1082;
	s9 =	sld [smem:$0x3FB6]  }
0x2f: {  	lr =	sadd.s32 s0, s3;
	s0 =	sld [smem:$0x3FAD]  }
0x30: {  	s3 =	sld [smem:$0x3FB0]  }
0x31: {  	[smem:$0x3FB9] =	sst s10  }
0x32: {  	s10 =	sld [smem:$0x3FB7];
	_ =	sdelay $0x3  }
0x33: {  	p0 =	seq.s32 s10, $0x1;
	s10 =	sld [smem:$0x3FB9];
	_ =	sdelay $0x3  }
0x34: {  	[smem:$0x3FB9] =	sst s10  }
0x35: {  	s10 =	sld [smem:$0x3FB8];
	_ =	sdelay $0x3  }
0x36: {  	p1 =	seq.s32 s10, $0x1;
	s10 =	sld [smem:$0x3FB9];
	_ =	sdelay $0x3  }
0x37: {  	[smem:$0x3FB9] =	sst s10  }
0x38: {  	s10 =	sld [smem:$0x3FBA]  }
0x39: {  	_ = 	snop;
	(pc) =	sbr.ind lr, $3  }
0x3a: {  	_ = 	snop  }
0x3b: {  	_ = 	snop  }
0x3c: {  	p2 =	seq.s32 s10, $0x1;
	s10 =	sld [smem:$0x3FB9]  }
0x3d: {  	_ =	shalt  }
0x3e: {  	_ =	shalt  }
0x3f: {  	_ =	shalt  }
0x40: {  	_ =	shalt  }
0x41: {  	_ =	shalt  }
0x42: {  	_ =	shalt  }
0x43: {  	_ =	shalt  }
0x44: {  	_ =	shalt  }
0x45: {  	_ =	shalt  }
0x46: {  	_ =	shalt  }
0x47: {  	_ =	shalt  }
0x48: {  	_ =	shalt  }
0x49: {  	_ =	shalt  }
0x4a: {  	_ =	shalt  }
0x4b: {  	_ =	shalt  }
0x4c: {  	_ =	shalt  }
0x4d: {  	_ =	shalt  }
0x4e: {  	_ =	shalt  }
0x4f: {  	_ =	shalt  }
0x50: {  	_ =	shalt  }
0x51: {  	_ =	shalt  }
0x52: {  	_ =	shalt  }
0x53: {  	_ =	shalt  }
0x54: {  	_ =	shalt  }
0x55: {  	_ =	shalt  }
0x56: {  	_ =	shalt  }
0x57: {  	_ =	shalt  }
0x58: {  	_ =	shalt  }
0x59: {  	_ =	shalt  }
0x5a: {  	_ =	shalt  }
0x5b: {  	_ =	shalt  }
0x5c: {  	_ =	shalt  }
0x5d: {  	_ =	shalt  }
0x5e: {  	_ =	shalt  }
0x5f: {  	_ =	shalt  }
0x60: {  	_ =	shalt  }
0x61: {  	_ =	shalt  }
0x62: {  	_ =	shalt  }
0x63: {  	_ =	shalt  }
0x64: {  	_ =	shalt  }
0x65: {  	_ =	shalt  }
0x66: {  	_ =	shalt  }
0x67: {  	_ =	shalt  }
0x68: {  	_ =	shalt  }
0x69: {  	_ =	shalt  }
0x6a: {  	_ =	shalt  }
0x6b: {  	_ =	shalt  }
0x6c: {  	_ =	shalt  }
0x6d: {  	_ =	shalt  }
0x6e: {  	_ =	shalt  }
0x6f: {  	_ =	shalt  }
0x70: {  	_ =	shalt  }
0x71: {  	_ =	shalt  }
0x72: {  	_ =	shalt  }
0x73: {  	_ =	shalt  }
0x74: {  	_ =	shalt  }
0x75: {  	_ =	shalt  }
0x76: {  	_ =	shalt  }
0x77: {  	_ =	shalt  }
0x78: {  	_ =	shalt  }
0x79: {  	_ =	shalt  }
0x7a: {  	_ =	shalt  }
0x7b: {  	_ =	shalt  }
0x7c: {  	_ =	shalt  }
0x7d: {  	_ =	shalt  }
0x7e: {  	_ =	shalt  }
0x7f: {  	_ =	shalt  }
0x80: {  	_ =	shalt  }
0x81: {  	_ =	shalt  }
0x82: {  	_ =	shalt  }
0x83: {  	_ =	shalt  }
0x84: {  	_ =	shalt  }
0x85: {  	_ =	shalt  }
0x86: {  	_ =	shalt  }
0x87: {  	_ =	shalt  }
.Lfunc_end0:
.L_simem_size_0:
called_computation_lowered:
.L_overlay_start_0:
0x88: {  	s2 =	sld [smem:$0x3FD9]  }
0x89: {  	s3 =	sld [smem:$0x3FFE];
	_ =	sdelay $0x1  }
0x8a: {  	s1 =	srdreg.scid  }
0x8b: {  	s0 =	sand.u32 $0x1, s1  }
0x8c: {  	s16 =	sshll.u32 s0, $0xA;
	s2 =	sadd.s32 s3, s2  }
0x8d: {  	s2 =	sadd.s32 s2, s16  }
0x8e: {  	[smem:$0x3FC5] =	sst s2  }
0x8f: {  	_ = 	snop  }
0x90: {  	(tm) =	ssettm $0x1  }
0x91: {  	s17 =	sld [smem:$0x3FFB];
	_ =	sdelay $0x3  }
0x92: {  	_ =	strace s17  }
0x93: {  	s2 =	sld [smem:$0x3FFC];
	_ =	sdelay $0x3  }
0x94: {  	_ =	strace s2  }
0x95: {  	s2 =	sld [smem:$0x3FFD];
	_ =	sdelay $0x3  }
0x96: {  	_ =	strace s2  }
0x97: {  	_ =	strace $0x8FFFFFFF  }
0x98: {  	s18 =	sld [smem:$0x3FDB];
	_ =	sdelay $0x1  }
0x99: {  	s19 =	simm.s32 $_scs_section_size  }
0x9a: {  	s4 =	simm.s32 $_size__tile_overlayer_lowered;
	s5 =	simm.s32 $_tile_overlayer_lowered  }
0x9b: {  	s22 =	simm.s32 $0x1BFF;
	s21 =	sshll.u32 s5, $0x1;
	s2 =	sadd.s32 s19, s18  }
0x9c: {  	s6 =	simm.s32 $0x0;
	s20 =	sshll.u32 s4, $0x1;
	s4 =	sadd.s32 s21, s2  }
0x9d: {  	[timem:s6], [sflag:s22] =	dma.local [hbm:s4], s20  }
0x9e: {  	_ =	swait.ge [sflag:s22], s20  }
0x9f: {  	s3 =	ssub.s32 $0x0, s20;
	[sflag:s22] =	ssyncset.done $0x0  }
0xa0: {  	[sflag:s22] =	ssyncadd.s32 s3;
	_ =	sdelay $0x1  }
0xa1: {  	s23 =	simm.s32 $0x1B8B  }
0xa2: {  	_ =	swait.ge [sflag:s23], $0x1  }
0xa3: {  	[sflag:s23] =	ssyncset.done $0x0  }
0xa4: {  	s25 =	simm.s32 $0x1B8E;
	s24 =	sld [smem:$0x3FFE];
	[sflag:s23] =	ssyncadd.s32 $0xFFFFFFFF  }
0xa5: {  	s26 =	simm.s32 $execute0_lowered;
	[smem:$0x3FD2] =	sst s25  }
0xa6: {  	s4 =	sshll.u32 s26, $0x1;
	_ =	strace $0x80000046;
	[dreg:$0x1] =	wrdreg $0xFFFFFFFF  }
0xa7: {  	s28 =	simm.s32 $_size_execute0_lowered;
	s2 =	sadd.s32 s2, s4;
	[dreg:$0x0] =	wrdreg $0x0  }
0xa8: {  	s4 =	sshll.u32 s28, $0x1;
	[dreg:$0x2] =	wrdreg s2  }
0xa9: {  	[dreg:$0x3] =	wrdreg s4  }
0xaa: {  	[dreg:$0x4] =	wrdreg $0xC0  }
0xab: {  	_ =	task [dreg:s6], $0x5FFFF  }
0xac: {  	[dreg:$0x1] =	wrdreg $0xFFFFFFFF  }
0xad: {  	[dreg:$0x0] =	wrdreg $0x60  }
0xae: {  	[dreg:$0x2] =	wrdreg s24  }
0xaf: {  	[dreg:$0x3] =	wrdreg $0x9  }
0xb0: {  	_ =	task.clear_ibuf [dreg:s6], $0x4FFFF;
	_ =	strace $0x90000046  }
0xb1: {  	s29 =	simm.s32 $0x9;
	_ =	strace $0x80000048  }
0xb2: {  	_ =	swait.ge [sflag:s29], $0x1  }
0xb3: {  	[sflag:s29] =	ssyncadd.s32 $0xFFFFFFFF  }
0xb4: {  	_ =	strace $0x90000048  }
0xb5: {  	_ =	sfence  }
0xb6: {  	s30 =	sld [smem:$0x0];
	_ =	sdelay $0x2  }
0xb7: {  	s31 =	sshll.u32 s1, $0xD;
	s1 =	sshrl.u32 s1, $0x2  }
0xb8: {  	s3 =	sand.u32 $0x4000, s31;
	s1 =	sadd.s32 s1, s30  }
0xb9: {  	s0 =	sor.u32 s3, s0;
	s1 =	sshll.u32 s1, $0x11  }
0xba: {  	s0 =	sor.u32 s1, s0  }
0xbb: {  	s0 =	sadd.s32 $0x8F2B, s0  }
0xbc: {  	[sflag:s0] =	ssyncadd.remote.s32 $0x1  }
0xbd: {  	_ =	sfence.sel $0xFFFF  }
0xbe: {  	[dreg:$0x0] =	wrdreg $0xFFFFFFFF;
	(pc) =	sbr.abs _section_cstart, $3  }
0xbf: {  	[dreg:$0x1] =	wrdreg $0xFFFFFFFF  }
0xc0: {  	_ =	task.clear_ibuf [dreg:s6], $0x2FFFF;
	_ =	strace $0x9FFFFFFF  }
0xc1: {  	(tm) =	ssettm $0x7FFFFFFF  }
tec
execute0_lowered:
.L_overlay_start_1:
0x0: {  	(tag) =	ssettag $0x1  }
0x1: {  	s5 =	rddreg [dreg:$0x0]  }
0x2: {  	s0 =	rddreg [dreg:$0x1]  }
0x3: {  	s1 =	simm.s32 $0x0;
	s3 =	srdreg.scid;
	s10 =	simm.s32 $0x1000  }
0x4: {  	s11 =	simm.s32 $0x2000;
	s12 =	simm.s32 $0x3000;
	s13 =	simm.s32 $0x3100  }
0x5: {  	v0 =	vimm.s32 $0xFEDCBA9;
	v1 =	vimm.s32 $0x87654321;
	s14 =	simm.s32 $0x2800;
	s15 =	simm.s32 $0x0;
	[smem:$0x7FF] =	sst s1  }
0x6: {  	s2 =	sadd.s32 $0x100400, s5;
	s7 =	sand.u32 $0x1, s3;
	s3 =	sadd.s32 $0x300400, s5;
	v0 =	vunpack.c.l.s4.s8 v0;
	v1 =	vunpack.c.l.s4.s8 v1  }
0x7: {  	s4 =	sadd.s32 $0x400, s5;
	s6 =	sadd.s32 $0x500400, s5;
	s8 =	ssub.s32 $0x2, s7  }
0x8: {  	s5 =	stileid.u32;
	_ =	strace $0x80000047;
	s9 =	sshrl.u32 s8, $0x1;
	v2 =	vunpack.c.0.s8.s32 v0;
	v3 =	vunpack.c.0.s8.s32 v1  }
0x9: {  	v4 =	vimm.s32 $0x0;
	v5 =	vimm.s32 $0x2F;
	s31 =	sshll.u32 s5, $0xC;
	s7 =	sshll.u32 s7, $0xB;
	v0 =	vlaneseq.u32;
	s8 =	ssub.s32 s8, s9  }
0xa: {  	s7 =	sor.u32 s7, s31;
	v1 =	vimm.s32 $0xF;
	s9 =	simm.s32 $0x1;
	s8 =	smax.u32 s8, $0x1;
	v2 =	vcombine.low v3, v2;
	v3 =	vimm.s32 $0x5F  }
.LBB2_1:
0xb: {  	s16 =	simm.s32 $0x0  }
.LBB2_2:
0xc: {  	s17 =	sshll.u32 s16, $0x4  }
0xd: {  	s18 =	sadd.s32 s7, s17  }
0xe: {  	s19 =	sshll.u32 s18, $0x5  }
0xf: {  	s17 =	simm.s32 $0x0;
	s20 =	sadd.s32 s2, s19  }
0x10: {  	[tilespmem:s17], [sflag:$0x1] =	stream.linear.gather [hbm4b:s20+s17], $0x1000, $0x38;
	[tilespmem:$0x3200] =	vst v63  }
0x11: {  	_ =	swait.ge [sflag:s9], $0x1000  }
0x12: {  	[sflag:s9] =	ssyncset.done $0x0  }
0x13: {  	s19 =	sadd.s32 s3, s19;
	[sflag:s9] =	ssyncadd.s32 $0xFFFFF000  }
0x14: {  	[tilespmem:s10], [sflag:$0x1] =	stream.linear.gather [hbm4b:s19+s17], $0x1000, $0x38;
	[tilespmem:$0x3200] =	vst v63  }
0x15: {  	_ =	swait.ge [sflag:s9], $0x1000  }
0x16: {  	s18 =	sshll.u32 s18, $0x4;
	[sflag:s9] =	ssyncset.done $0x0  }
0x17: {  	s31 =	sadd.s32 s4, s18;
	[sflag:s9] =	ssyncadd.s32 $0xFFFFF000  }
0x18: {  	[tilespmem:s11], [sflag:$0x1] =	stream.linear.gather [hbm4b:s31+s17], $0x800, $0x38;
	[tilespmem:$0x3200] =	vst v63  }
0x19: {  	_ =	swait.ge [sflag:s9], $0x800  }
0x1a: {  	s21 =	simm.s32 $0x0;
	[sflag:s9] =	ssyncset.done $0x0  }
0x1b: {  	s20 =	simm.s32 $0x2030;
	s19 =	simm.s32 $0x2830;
	[sflag:s9] =	ssyncadd.s32 $0xFFFFF800  }
.LBB2_3:
0x1c: {  	s22 =	sand.u32 $0x800, s21;
	s23 =	sand.u32 $0x380, s17  }
0x1d: {  	s22 =	sor.u32 s23, s22  }
0x1e: {  	v6 =	vld [tilespmem:s22+$0x1000];
	_ =	sdelay $0x4  }
0x1f: {  	v6 =	vadd.f32 $9.999999740e-06, v6  }
0x20: {  	vm0 =	veq.s32 v0, $0x0  }
0x21: {  	v6 =	vsel vm0, $0x0, v6  }
0x22: {  	(xrf2) =	vadd.scan.msk.f32 $0xffff, v6;
	_ =	sdelay $0x9  }
0x23: {  	v6, _, _ =	vpop (xrf2)  }
0x24: {  	v6 =	vadd.f32 $0.0e+00, v6;
	_ =	sdelay $0x1  }
0x25: {  	[tilespmem:$0x3000] =	vst v6  }
0x26: {  	v7 =	vld [tilespmem:s22+$0x1010];
	_ =	sdelay $0x4  }
0x27: {  	v7 =	vadd.f32 $9.999999740e-06, v7;
	_ =	sdelay $0x1  }
0x28: {  	(xrf2) =	vadd.scan.msk.f32 $0xffff, v7;
	_ =	sdelay $0x8  }
0x29: {  	v6 =	vperm.xlane v6, v1  }
0x2a: {  	v7, _, _ =	vpop (xrf2)  }
0x2b: {  	v6 =	vadd.f32 v7, v6;
	_ =	sdelay $0x1  }
0x2c: {  	[tilespmem:$0x3010] =	vst v6  }
0x2d: {  	v7 =	vld [tilespmem:s22+$0x1020];
	_ =	sdelay $0x4  }
0x2e: {  	v7 =	vadd.f32 $9.999999740e-06, v7;
	_ =	sdelay $0x1  }
0x2f: {  	(xrf2) =	vadd.scan.msk.f32 $0xffff, v7;
	_ =	sdelay $0x8  }
0x30: {  	v6 =	vperm.xlane v6, v1  }
0x31: {  	v7, _, _ =	vpop (xrf2)  }
0x32: {  	v6 =	vadd.f32 v7, v6;
	_ =	sdelay $0x1  }
0x33: {  	[tilespmem:$0x3020] =	vst v6  }
0x34: {  	v7 =	vld [tilespmem:s22+$0x1030];
	_ =	sdelay $0x4  }
0x35: {  	v7 =	vadd.f32 $9.999999740e-06, v7;
	_ =	sdelay $0x1  }
0x36: {  	(xrf2) =	vadd.scan.msk.f32 $0xffff, v7;
	_ =	sdelay $0x8  }
0x37: {  	v6 =	vperm.xlane v6, v1  }
0x38: {  	v7, _, _ =	vpop (xrf2)  }
0x39: {  	v6 =	vadd.f32 v7, v6;
	_ =	sdelay $0x1  }
0x3a: {  	[tilespmem:$0x3030] =	vst v6  }
0x3b: {  	v7 =	vld [tilespmem:s22+$0x1040];
	_ =	sdelay $0x4  }
0x3c: {  	v7 =	vadd.f32 $9.999999740e-06, v7;
	_ =	sdelay $0x1  }
0x3d: {  	(xrf2) =	vadd.scan.msk.f32 $0xffff, v7;
	_ =	sdelay $0x8  }
0x3e: {  	v6 =	vperm.xlane v6, v1  }
0x3f: {  	v7, _, _ =	vpop (xrf2)  }
0x40: {  	v6 =	vadd.f32 v7, v6;
	_ =	sdelay $0x1  }
0x41: {  	[tilespmem:$0x3040] =	vst v6  }
0x42: {  	v7 =	vld [tilespmem:s22+$0x1050];
	_ =	sdelay $0x4  }
0x43: {  	v7 =	vadd.f32 $9.999999740e-06, v7;
	_ =	sdelay $0x1  }
0x44: {  	(xrf2) =	vadd.scan.msk.f32 $0xffff, v7;
	_ =	sdelay $0x8  }
0x45: {  	v6 =	vperm.xlane v6, v1  }
0x46: {  	v7, _, _ =	vpop (xrf2)  }
0x47: {  	v6 =	vadd.f32 v7, v6;
	_ =	sdelay $0x1  }
0x48: {  	[tilespmem:$0x3050] =	vst v6  }
0x49: {  	v7 =	vld [tilespmem:s22+$0x1060];
	_ =	sdelay $0x4  }
0x4a: {  	v7 =	vadd.f32 $9.999999740e-06, v7;
	_ =	sdelay $0x1  }
0x4b: {  	(xrf2) =	vadd.scan.msk.f32 $0xffff, v7;
	_ =	sdelay $0x8  }
0x4c: {  	v6 =	vperm.xlane v6, v1  }
0x4d: {  	v7, _, _ =	vpop (xrf2)  }
0x4e: {  	v6 =	vadd.f32 v7, v6;
	_ =	sdelay $0x1  }
0x4f: {  	[tilespmem:$0x3060] =	vst v6  }
0x50: {  	v7 =	vld [tilespmem:s22+$0x1070];
	_ =	sdelay $0x4  }
0x51: {  	v7 =	vadd.f32 $9.999999740e-06, v7;
	_ =	sdelay $0x1  }
0x52: {  	(xrf2) =	vadd.scan.msk.f32 $0xffff, v7;
	_ =	sdelay $0x8  }
0x53: {  	v6 =	vperm.xlane v6, v1  }
0x54: {  	v7, _, _ =	vpop (xrf2)  }
0x55: {  	v6 =	vadd.f32 v7, v6;
	_ =	sdelay $0x1  }
0x56: {  	[tilespmem:$0x3070] =	vst v6  }
0x57: {  	v7 =	vld [tilespmem:s22+$0x1400];
	_ =	sdelay $0x4  }
0x58: {  	v7 =	vadd.f32 $9.999999740e-06, v7;
	_ =	sdelay $0x1  }
0x59: {  	(xrf2) =	vadd.scan.msk.f32 $0xffff, v7;
	_ =	sdelay $0x8  }
0x5a: {  	v6 =	vperm.xlane v6, v1  }
0x5b: {  	v7, _, _ =	vpop (xrf2)  }
0x5c: {  	v6 =	vadd.f32 v7, v6;
	_ =	sdelay $0x1  }
0x5d: {  	[tilespmem:$0x3080] =	vst v6  }
0x5e: {  	v7 =	vld [tilespmem:s22+$0x1410];
	_ =	sdelay $0x4  }
0x5f: {  	v7 =	vadd.f32 $9.999999740e-06, v7;
	_ =	sdelay $0x1  }
0x60: {  	(xrf2) =	vadd.scan.msk.f32 $0xffff, v7;
	_ =	sdelay $0x8  }
0x61: {  	v6 =	vperm.xlane v6, v1  }
0x62: {  	v7, _, _ =	vpop (xrf2)  }
0x63: {  	v6 =	vadd.f32 v7, v6;
	_ =	sdelay $0x1  }
0x64: {  	[tilespmem:$0x3090] =	vst v6  }
0x65: {  	v7 =	vld [tilespmem:s22+$0x1420];
	_ =	sdelay $0x4  }
0x66: {  	v7 =	vadd.f32 $9.999999740e-06, v7;
	_ =	sdelay $0x1  }
0x67: {  	(xrf2) =	vadd.scan.msk.f32 $0xffff, v7;
	_ =	sdelay $0x8  }
0x68: {  	v6 =	vperm.xlane v6, v1  }
0x69: {  	v7, _, _ =	vpop (xrf2)  }
0x6a: {  	v6 =	vadd.f32 v7, v6;
	_ =	sdelay $0x1  }
0x6b: {  	[tilespmem:$0x30A0] =	vst v6  }
0x6c: {  	v7 =	vld [tilespmem:s22+$0x1430];
	_ =	sdelay $0x4  }
0x6d: {  	v7 =	vadd.f32 $9.999999740e-06, v7  }
0x6e: {  	vm10 =	veq.s32 v0, $0xF  }
0x6f: {  	v7 =	vsel vm10, $0x0, v7  }
0x70: {  	(xrf2) =	vadd.scan.msk.f32 $0xffff, v7;
	_ =	sdelay $0x8  }
0x71: {  	v6 =	vperm.xlane v6, v1  }
0x72: {  	v7, _, _ =	vpop (xrf2)  }
0x73: {  	v6 =	vadd.f32 v7, v6;
	_ =	sdelay $0x1  }
0x74: {  	[tilespmem:$0x30B0] =	vst v6  }
0x75: {  	v7 =	vld [tilespmem:s22+$0x0]  }
0x76: {  	v8 =	vld [tilespmem:s22+$0x1];
	_ =	sdelay $0x4  }
0x77: {  	v7 =	vadd.f32 v8, v7;
	_ =	sdelay $0x1  }
0x78: {  	v7 =	vmul.f32 $5.000000000e-01, v7;
	_ =	sdelay $0x1  }
0x79: {  	[tilespmem:$0x3100] =	vst v7  }
0x7a: {  	v7 =	vld [tilespmem:s22+$0x10]  }
0x7b: {  	v17 =	vld [tilespmem:s22+$0x11];
	_ =	sdelay $0x4  }
0x7c: {  	v7 =	vadd.f32 v17, v7;
	_ =	sdelay $0x1  }
0x7d: {  	v7 =	vmul.f32 $5.000000000e-01, v7;
	_ =	sdelay $0x1  }
0x7e: {  	[tilespmem:$0x3110] =	vst v7  }
0x7f: {  	v7 =	vld [tilespmem:s22+$0x20]  }
0x80: {  	v18 =	vld [tilespmem:s22+$0x21];
	_ =	sdelay $0x4  }
0x81: {  	v7 =	vadd.f32 v18, v7;
	_ =	sdelay $0x1  }
0x82: {  	v7 =	vmul.f32 $5.000000000e-01, v7;
	_ =	sdelay $0x1  }
0x83: {  	[tilespmem:$0x3120] =	vst v7  }
0x84: {  	v7 =	vld [tilespmem:s22+$0x30]  }
0x85: {  	v19 =	vld [tilespmem:s22+$0x31];
	_ =	sdelay $0x4  }
0x86: {  	v7 =	vadd.f32 v19, v7;
	_ =	sdelay $0x1  }
0x87: {  	v7 =	vmul.f32 $5.000000000e-01, v7;
	_ =	sdelay $0x1  }
0x88: {  	[tilespmem:$0x3130] =	vst v7  }
0x89: {  	v7 =	vld [tilespmem:s22+$0x40]  }
0x8a: {  	v20 =	vld [tilespmem:s22+$0x41];
	_ =	sdelay $0x4  }
0x8b: {  	v7 =	vadd.f32 v20, v7;
	_ =	sdelay $0x1  }
0x8c: {  	v7 =	vmul.f32 $5.000000000e-01, v7;
	_ =	sdelay $0x1  }
0x8d: {  	[tilespmem:$0x3140] =	vst v7  }
0x8e: {  	v7 =	vld [tilespmem:s22+$0x50]  }
0x8f: {  	v21 =	vld [tilespmem:s22+$0x51];
	_ =	sdelay $0x4  }
0x90: {  	v7 =	vadd.f32 v21, v7;
	_ =	sdelay $0x1  }
0x91: {  	v7 =	vmul.f32 $5.000000000e-01, v7;
	_ =	sdelay $0x1  }
0x92: {  	[tilespmem:$0x3150] =	vst v7  }
0x93: {  	v7 =	vld [tilespmem:s22+$0x60]  }
0x94: {  	v22 =	vld [tilespmem:s22+$0x61];
	_ =	sdelay $0x4  }
0x95: {  	v7 =	vadd.f32 v22, v7;
	_ =	sdelay $0x1  }
0x96: {  	v7 =	vmul.f32 $5.000000000e-01, v7;
	_ =	sdelay $0x1  }
0x97: {  	[tilespmem:$0x3160] =	vst v7  }
0x98: {  	v7 =	vld [tilespmem:s22+$0x70]  }
0x99: {  	v23 =	vld [tilespmem:s22+$0x71];
	_ =	sdelay $0x4  }
0x9a: {  	v7 =	vadd.f32 v23, v7;
	_ =	sdelay $0x1  }
0x9b: {  	v7 =	vmul.f32 $5.000000000e-01, v7;
	_ =	sdelay $0x1  }
0x9c: {  	[tilespmem:$0x3170] =	vst v7  }
0x9d: {  	v7 =	vld [tilespmem:s22+$0x400]  }
0x9e: {  	v24 =	vld [tilespmem:s22+$0x401];
	_ =	sdelay $0x4  }
0x9f: {  	v7 =	vadd.f32 v24, v7;
	_ =	sdelay $0x1  }
0xa0: {  	v7 =	vmul.f32 $5.000000000e-01, v7;
	_ =	sdelay $0x1  }
0xa1: {  	[tilespmem:$0x3180] =	vst v7  }
0xa2: {  	v7 =	vld [tilespmem:s22+$0x410]  }
0xa3: {  	v25 =	vld [tilespmem:s22+$0x411];
	_ =	sdelay $0x4  }
0xa4: {  	v7 =	vadd.f32 v25, v7;
	_ =	sdelay $0x1  }
0xa5: {  	v7 =	vmul.f32 $5.000000000e-01, v7;
	_ =	sdelay $0x1  }
0xa6: {  	[tilespmem:$0x3190] =	vst v7  }
0xa7: {  	v7 =	vld [tilespmem:s22+$0x420]  }
0xa8: {  	v26 =	vld [tilespmem:s22+$0x421];
	_ =	sdelay $0x4  }
0xa9: {  	v7 =	vadd.f32 v26, v7;
	_ =	sdelay $0x1  }
0xaa: {  	v7 =	vmul.f32 $5.000000000e-01, v7;
	_ =	sdelay $0x1  }
0xab: {  	[tilespmem:$0x31A0] =	vst v7  }
0xac: {  	v7 =	vld [tilespmem:s22+$0x430];
	_ =	sdelay $0x4  }
0xad: {  	v27 =	vperm.xlane v7, v2;
	_ =	sdelay $0x1  }
0xae: {  	v7 =	vadd.f32 v27, v7;
	_ =	sdelay $0x1  }
0xaf: {  	v7 =	vmul.f32 $5.000000000e-01, v7;
	_ =	sdelay $0x1  }
0xb0: {  	[tilespmem:$0x31B0] =	vst v7  }
0xb1: {  	v7 =	vld [tilespmem:s20+$0xFFFFFFD0];
	_ =	sdelay $0x1  }
0xb2: {  	v28 =	vld.idx.msk [tilespmem:v3+s12+$0x0], $0xffff  }
0xb3: {  	v6 =	vperm.xlane v6, v1;
	_ =	sdelay $0x1  }
0xb4: {  	v9 =	vmul.f32 v7, v6;
	_ =	sdelay $0x1  }
0xb5: {  	vm11 =	vle.f32 v28, v9  }
0xb6: {  	v7 =	vsel vm11, $0x8F, v5;
	_ =	sdelay $0x4  }
0xb7: {  	v29 =	vld.idx.msk [tilespmem:v7+s12+$0x0], $0xffff;
	_ =	sdelay $0x4  }
0xb8: {  	v10 =	vsel vm11, $0xBF, v3;
	vm1 =	vle.f32 v29, v9  }
0xb9: {  	v30 =	vsel vm11, $0x5F, v4;
	v10 =	vsel vm1, v10, v7  }
0xba: {  	v7 =	vsel vm1, v7, v30;
	v31 =	vadd.s32 $0xFFFFFFFF, v10  }
0xbb: {  	v8 =	vadd.s32 v31, v7  }
0xbc: {  	v8 =	vadd.s32 $0x1, v8  }
0xbd: {  	v8 =	vshrl.u32 v8, $0x1;
	_ =	sdelay $0x4  }
0xbe: {  	v11 =	vld.idx.msk [tilespmem:v8+s12+$0x0], $0xffff;
	_ =	sdelay $0x4  }
0xbf: {  	vm12 =	vle.f32 v11, v9  }
0xc0: {  	v7 =	vsel vm12, v8, v7;
	v8 =	vsel vm12, v10, v8  }
0xc1: {  	v10 =	vadd.s32 v8, v7  }
0xc2: {  	v10 =	vshrl.u32 v10, $0x1;
	_ =	sdelay $0x4  }
0xc3: {  	v32 =	vld.idx.msk [tilespmem:v10+s12+$0x0], $0xffff;
	_ =	sdelay $0x4  }
0xc4: {  	vm13 =	vle.f32 v32, v9  }
0xc5: {  	v7 =	vsel vm13, v10, v7;
	v8 =	vsel vm13, v8, v10  }
0xc6: {  	v10 =	vadd.s32 v8, v7  }
0xc7: {  	v10 =	vshrl.u32 v10, $0x1;
	_ =	sdelay $0x4  }
0xc8: {  	v33 =	vld.idx.msk [tilespmem:v10+s12+$0x0], $0xffff;
	_ =	sdelay $0x4  }
0xc9: {  	vm14 =	vle.f32 v33, v9  }
0xca: {  	v7 =	vsel vm14, v10, v7;
	v8 =	vsel vm14, v8, v10  }
0xcb: {  	v10 =	vadd.s32 v8, v7  }
0xcc: {  	v10 =	vshrl.u32 v10, $0x1;
	_ =	sdelay $0x4  }
0xcd: {  	v34 =	vld.idx.msk [tilespmem:v10+s12+$0x0], $0xffff;
	_ =	sdelay $0x4  }
0xce: {  	vm15 =	vle.f32 v34, v9  }
0xcf: {  	v7 =	vsel vm15, v10, v7;
	v8 =	vsel vm15, v8, v10  }
0xd0: {  	v10 =	vadd.s32 v8, v7  }
0xd1: {  	v10 =	vshrl.u32 v10, $0x1;
	_ =	sdelay $0x4  }
0xd2: {  	v35 =	vld.idx.msk [tilespmem:v10+s12+$0x0], $0xffff;
	_ =	sdelay $0x4  }
0xd3: {  	vm4 =	vle.f32 v35, v9  }
0xd4: {  	v7 =	vsel vm4, v10, v7;
	v8 =	vsel vm4, v8, v10  }
0xd5: {  	v10 =	vadd.s32 v8, v7  }
0xd6: {  	v10 =	vshrl.u32 v10, $0x1;
	_ =	sdelay $0x4  }
0xd7: {  	v36 =	vld.idx.msk [tilespmem:v10+s12+$0x0], $0xffff;
	_ =	sdelay $0x4  }
0xd8: {  	vm5 =	vle.f32 v36, v9  }
0xd9: {  	v7 =	vsel vm5, v10, v7;
	v8 =	vsel vm5, v8, v10  }
0xda: {  	v8 =	vmin.u32 v8, $0xBE;
	_ =	sdelay $0x3  }
0xdb: {  	v37 =	vld.idx.msk [tilespmem:v7+s12+$0x0], $0xffff  }
0xdc: {  	v38 =	vld.idx.msk [tilespmem:v8+s12+$0x0], $0xffff;
	_ =	sdelay $0x4  }
0xdd: {  	v11 =	vsub.f32 v38, v37  }
0xde: {  	(erf) = vrcp.f32 v6  }
0xdf: {  	(erf) = vrcp.f32 v11;
	_ =	sdelay $0x4  }
0xe0: {  	v12 =	vld.idx.msk [tilespmem:v7+s13+$0x0], $0xffff  }
0xe1: {  	v13 =	vld.idx.msk [tilespmem:v8+s13+$0x0], $0xffff  }
0xe2: {  	v8 =	vmul.f32 $9.999999740e-06, v6  }
0xe3: {  	v7 =	vpop (erf)  }
0xe4: {  	v9 =	vsub.f32 v9, v37;
	vm6 =	vlt.f32 v11, v8;
	v39 =	vpop (erf)  }
0xe5: {  	v10 =	vsel vm6, v7, v39  }
0xe6: {  	v40 =	vsub.f32 v13, v12;
	v9 =	vmul.f32 v10, v9;
	_ =	sdelay $0x1  }
0xe7: {  	v9 =	vmul.f32 v9, v40;
	_ =	sdelay $0x1  }
0xe8: {  	v9 =	vadd.f32 v9, v12;
	_ =	sdelay $0x1  }
0xe9: {  	[tilespmem:s19+$0xFFFFFFD0] =	vst v9  }
0xea: {  	v9 =	vld [tilespmem:s20+$0xFFFFFFE0];
	_ =	sdelay $0x1  }
0xeb: {  	v41 =	vld.idx.msk [tilespmem:v3+s12+$0x0], $0xffff;
	_ =	sdelay $0x2  }
0xec: {  	v9 =	vmul.f32 v9, v6;
	_ =	sdelay $0x1  }
0xed: {  	vm7 =	vle.f32 v41, v9  }
0xee: {  	v10 =	vsel vm7, $0x8F, v5;
	_ =	sdelay $0x4  }
0xef: {  	v42 =	vld.idx.msk [tilespmem:v10+s12+$0x0], $0xffff;
	_ =	sdelay $0x4  }
0xf0: {  	v43 =	vsel vm7, $0xBF, v3;
	vm8 =	vle.f32 v42, v9  }
0xf1: {  	v44 =	vsel vm7, $0x5F, v4;
	v12 =	vsel vm8, v43, v10  }
0xf2: {  	v10 =	vsel vm8, v10, v44;
	v45 =	vadd.s32 $0xFFFFFFFF, v12  }
0xf3: {  	v11 =	vadd.s32 v45, v10  }
0xf4: {  	v11 =	vadd.s32 $0x1, v11  }
0xf5: {  	v11 =	vshrl.u32 v11, $0x1;
	_ =	sdelay $0x4  }
0xf6: {  	v46 =	vld.idx.msk [tilespmem:v11+s12+$0x0], $0xffff;
	_ =	sdelay $0x4  }
0xf7: {  	vm9 =	vle.f32 v46, v9  }
0xf8: {  	v10 =	vsel vm9, v11, v10;
	v11 =	vsel vm9, v12, v11  }
0xf9: {  	v12 =	vadd.s32 v11, v10  }
0xfa: {  	v12 =	vshrl.u32 v12, $0x1;
	_ =	sdelay $0x4  }
0xfb: {  	v47 =	vld.idx.msk [tilespmem:v12+s12+$0x0], $0xffff;
	_ =	sdelay $0x4  }
0xfc: {  	vm10 =	vle.f32 v47, v9  }
0xfd: {  	v10 =	vsel vm10, v12, v10;
	v11 =	vsel vm10, v11, v12  }
0xfe: {  	v12 =	vadd.s32 v11, v10  }
0xff: {  	v12 =	vshrl.u32 v12, $0x1;
	_ =	sdelay $0x4  }
0x100: {  	v48 =	vld.idx.msk [tilespmem:v12+s12+$0x0], $0xffff;
	_ =	sdelay $0x4  }
0x101: {  	vm11 =	vle.f32 v48, v9  }
0x102: {  	v10 =	vsel vm11, v12, v10;
	v11 =	vsel vm11, v11, v12  }
0x103: {  	v12 =	vadd.s32 v11, v10  }
0x104: {  	v12 =	vshrl.u32 v12, $0x1;
	_ =	sdelay $0x4  }
0x105: {  	v49 =	vld.idx.msk [tilespmem:v12+s12+$0x0], $0xffff;
	_ =	sdelay $0x4  }
0x106: {  	vm12 =	vle.f32 v49, v9  }
0x107: {  	v10 =	vsel vm12, v12, v10;
	v11 =	vsel vm12, v11, v12  }
0x108: {  	v12 =	vadd.s32 v11, v10  }
0x109: {  	v12 =	vshrl.u32 v12, $0x1;
	_ =	sdelay $0x4  }
0x10a: {  	v50 =	vld.idx.msk [tilespmem:v12+s12+$0x0], $0xffff;
	_ =	sdelay $0x4  }
0x10b: {  	vm13 =	vle.f32 v50, v9  }
0x10c: {  	v10 =	vsel vm13, v12, v10;
	v11 =	vsel vm13, v11, v12  }
0x10d: {  	v12 =	vadd.s32 v11, v10  }
0x10e: {  	v12 =	vshrl.u32 v12, $0x1;
	_ =	sdelay $0x4  }
0x10f: {  	v51 =	vld.idx.msk [tilespmem:v12+s12+$0x0], $0xffff;
	_ =	sdelay $0x4  }
0x110: {  	vm14 =	vle.f32 v51, v9  }
0x111: {  	v10 =	vsel vm14, v12, v10;
	v11 =	vsel vm14, v11, v12  }
0x112: {  	v11 =	vmin.u32 v11, $0xBE;
	_ =	sdelay $0x3  }
0x113: {  	v52 =	vld.idx.msk [tilespmem:v10+s12+$0x0], $0xffff  }
0x114: {  	v53 =	vld.idx.msk [tilespmem:v11+s12+$0x0], $0xffff;
	_ =	sdelay $0x4  }
0x115: {  	v13 =	vsub.f32 v53, v52;
	_ =	sdelay $0x1  }
0x116: {  	(erf) = vrcp.f32 v13;
	_ =	sdelay $0x4  }
0x117: {  	v10 =	vld.idx.msk [tilespmem:v10+s13+$0x0], $0xffff  }
0x118: {  	v11 =	vld.idx.msk [tilespmem:v11+s13+$0x0], $0xffff;
	_ =	sdelay $0x2  }
0x119: {  	v9 =	vsub.f32 v9, v52;
	vm15 =	vlt.f32 v13, v8;
	v54 =	vpop (erf)  }
0x11a: {  	v12 =	vsel vm15, v7, v54  }
0x11b: {  	v11 =	vsub.f32 v11, v10;
	v9 =	vmul.f32 v12, v9;
	_ =	sdelay $0x1  }
0x11c: {  	v9 =	vmul.f32 v9, v11;
	_ =	sdelay $0x1  }
0x11d: {  	v9 =	vadd.f32 v9, v10;
	_ =	sdelay $0x1  }
0x11e: {  	[tilespmem:s19+$0xFFFFFFE0] =	vst v9  }
0x11f: {  	v9 =	vld [tilespmem:s20+$0xFFFFFFF0];
	_ =	sdelay $0x1  }
0x120: {  	v55 =	vld.idx.msk [tilespmem:v3+s12+$0x0], $0xffff;
	_ =	sdelay $0x2  }
0x121: {  	v9 =	vmul.f32 v9, v6;
	_ =	sdelay $0x1  }
0x122: {  	vm4 =	vle.f32 v55, v9  }
0x123: {  	v10 =	vsel vm4, $0x8F, v5;
	_ =	sdelay $0x4  }
0x124: {  	v56 =	vld.idx.msk [tilespmem:v10+s12+$0x0], $0xffff;
	_ =	sdelay $0x4  }
0x125: {  	v57 =	vsel vm4, $0xBF, v3;
	vm5 =	vle.f32 v56, v9  }
0x126: {  	v58 =	vsel vm4, $0x5F, v4;
	v12 =	vsel vm5, v57, v10  }
0x127: {  	v10 =	vsel vm5, v10, v58;
	v59 =	vadd.s32 $0xFFFFFFFF, v12  }
0x128: {  	v11 =	vadd.s32 v59, v10  }
0x129: {  	v11 =	vadd.s32 $0x1, v11  }
0x12a: {  	v11 =	vshrl.u32 v11, $0x1;
	_ =	sdelay $0x4  }
0x12b: {  	v60 =	vld.idx.msk [tilespmem:v11+s12+$0x0], $0xffff;
	_ =	sdelay $0x4  }
0x12c: {  	vm6 =	vle.f32 v60, v9  }
0x12d: {  	v10 =	vsel vm6, v11, v10;
	v11 =	vsel vm6, v12, v11  }
0x12e: {  	v12 =	vadd.s32 v11, v10  }
0x12f: {  	v12 =	vshrl.u32 v12, $0x1;
	_ =	sdelay $0x4  }
0x130: {  	v61 =	vld.idx.msk [tilespmem:v12+s12+$0x0], $0xffff;
	_ =	sdelay $0x4  }
0x131: {  	vm7 =	vle.f32 v61, v9  }
0x132: {  	v10 =	vsel vm7, v12, v10;
	v11 =	vsel vm7, v11, v12  }
0x133: {  	v12 =	vadd.s32 v11, v10  }
0x134: {  	v12 =	vshrl.u32 v12, $0x1;
	_ =	sdelay $0x4  }
0x135: {  	v62 =	vld.idx.msk [tilespmem:v12+s12+$0x0], $0xffff;
	_ =	sdelay $0x4  }
0x136: {  	vm8 =	vle.f32 v62, v9  }
0x137: {  	v10 =	vsel vm8, v12, v10;
	v11 =	vsel vm8, v11, v12  }
0x138: {  	v12 =	vadd.s32 v11, v10  }
0x139: {  	v12 =	vshrl.u32 v12, $0x1;
	_ =	sdelay $0x4  }
0x13a: {  	v63 =	vld.idx.msk [tilespmem:v12+s12+$0x0], $0xffff;
	_ =	sdelay $0x4  }
0x13b: {  	vm9 =	vle.f32 v63, v9  }
0x13c: {  	v10 =	vsel vm9, v12, v10;
	v11 =	vsel vm9, v11, v12  }
0x13d: {  	v12 =	vadd.s32 v11, v10  }
0x13e: {  	v12 =	vshrl.u32 v12, $0x1;
	_ =	sdelay $0x4  }
0x13f: {  	v16 =	vld.idx.msk [tilespmem:v12+s12+$0x0], $0xffff;
	_ =	sdelay $0x4  }
0x140: {  	vm10 =	vle.f32 v16, v9  }
0x141: {  	v10 =	vsel vm10, v12, v10;
	v11 =	vsel vm10, v11, v12  }
0x142: {  	v12 =	vadd.s32 v11, v10  }
0x143: {  	v12 =	vshrl.u32 v12, $0x1;
	_ =	sdelay $0x4  }
0x144: {  	v17 =	vld.idx.msk [tilespmem:v12+s12+$0x0], $0xffff;
	_ =	sdelay $0x4  }
0x145: {  	vm11 =	vle.f32 v17, v9  }
0x146: {  	v10 =	vsel vm11, v12, v10;
	v11 =	vsel vm11, v11, v12  }
0x147: {  	v11 =	vmin.u32 v11, $0xBE;
	_ =	sdelay $0x3  }
0x148: {  	v18 =	vld.idx.msk [tilespmem:v10+s12+$0x0], $0xffff  }
0x149: {  	v19 =	vld.idx.msk [tilespmem:v11+s12+$0x0], $0xffff;
	_ =	sdelay $0x4  }
0x14a: {  	v13 =	vsub.f32 v19, v18;
	_ =	sdelay $0x1  }
0x14b: {  	(erf) = vrcp.f32 v13;
	_ =	sdelay $0x4  }
0x14c: {  	v10 =	vld.idx.msk [tilespmem:v10+s13+$0x0], $0xffff  }
0x14d: {  	v11 =	vld.idx.msk [tilespmem:v11+s13+$0x0], $0xffff;
	_ =	sdelay $0x2  }
0x14e: {  	v9 =	vsub.f32 v9, v18;
	vm12 =	vlt.f32 v13, v8;
	v20 =	vpop (erf)  }
0x14f: {  	v12 =	vsel vm12, v7, v20  }
0x150: {  	v11 =	vsub.f32 v11, v10;
	v9 =	vmul.f32 v12, v9;
	_ =	sdelay $0x1  }
0x151: {  	v9 =	vmul.f32 v9, v11;
	_ =	sdelay $0x1  }
0x152: {  	v9 =	vadd.f32 v9, v10;
	_ =	sdelay $0x1  }
0x153: {  	[tilespmem:s19+$0xFFFFFFF0] =	vst v9  }
0x154: {  	v9 =	vld [tilespmem:s20+$0x0];
	_ =	sdelay $0x1  }
0x155: {  	v21 =	vld.idx.msk [tilespmem:v3+s12+$0x0], $0xffff;
	_ =	sdelay $0x2  }
0x156: {  	v9 =	vmul.f32 v9, v6;
	_ =	sdelay $0x1  }
0x157: {  	vm13 =	vle.f32 v21, v9  }
0x158: {  	v10 =	vsel vm13, $0x8F, v5;
	_ =	sdelay $0x4  }
0x159: {  	v22 =	vld.idx.msk [tilespmem:v10+s12+$0x0], $0xffff;
	_ =	sdelay $0x4  }
0x15a: {  	v23 =	vsel vm13, $0xBF, v3;
	vm14 =	vle.f32 v22, v9  }
0x15b: {  	v24 =	vsel vm13, $0x5F, v4;
	v12 =	vsel vm14, v23, v10  }
0x15c: {  	v10 =	vsel vm14, v10, v24;
	v25 =	vadd.s32 $0xFFFFFFFF, v12  }
0x15d: {  	v11 =	vadd.s32 v25, v10  }
0x15e: {  	v11 =	vadd.s32 $0x1, v11  }
0x15f: {  	v11 =	vshrl.u32 v11, $0x1;
	_ =	sdelay $0x4  }
0x160: {  	v26 =	vld.idx.msk [tilespmem:v11+s12+$0x0], $0xffff;
	_ =	sdelay $0x4  }
0x161: {  	vm15 =	vle.f32 v26, v9  }
0x162: {  	v10 =	vsel vm15, v11, v10;
	v11 =	vsel vm15, v12, v11  }
0x163: {  	v12 =	vadd.s32 v11, v10  }
0x164: {  	v12 =	vshrl.u32 v12, $0x1;
	_ =	sdelay $0x4  }
0x165: {  	v27 =	vld.idx.msk [tilespmem:v12+s12+$0x0], $0xffff;
	_ =	sdelay $0x4  }
0x166: {  	vm4 =	vle.f32 v27, v9  }
0x167: {  	v10 =	vsel vm4, v12, v10;
	v11 =	vsel vm4, v11, v12  }
0x168: {  	v12 =	vadd.s32 v11, v10  }
0x169: {  	v12 =	vshrl.u32 v12, $0x1;
	_ =	sdelay $0x4  }
0x16a: {  	v28 =	vld.idx.msk [tilespmem:v12+s12+$0x0], $0xffff;
	_ =	sdelay $0x4  }
0x16b: {  	vm5 =	vle.f32 v28, v9  }
0x16c: {  	v10 =	vsel vm5, v12, v10;
	v11 =	vsel vm5, v11, v12  }
0x16d: {  	v12 =	vadd.s32 v11, v10  }
0x16e: {  	v12 =	vshrl.u32 v12, $0x1;
	_ =	sdelay $0x4  }
0x16f: {  	v29 =	vld.idx.msk [tilespmem:v12+s12+$0x0], $0xffff;
	_ =	sdelay $0x4  }
0x170: {  	vm6 =	vle.f32 v29, v9  }
0x171: {  	v10 =	vsel vm6, v12, v10;
	v11 =	vsel vm6, v11, v12  }
0x172: {  	v12 =	vadd.s32 v11, v10  }
0x173: {  	v12 =	vshrl.u32 v12, $0x1;
	_ =	sdelay $0x4  }
0x174: {  	v30 =	vld.idx.msk [tilespmem:v12+s12+$0x0], $0xffff;
	_ =	sdelay $0x4  }
0x175: {  	vm7 =	vle.f32 v30, v9  }
0x176: {  	v10 =	vsel vm7, v12, v10;
	v11 =	vsel vm7, v11, v12  }
0x177: {  	v12 =	vadd.s32 v11, v10  }
0x178: {  	v12 =	vshrl.u32 v12, $0x1;
	_ =	sdelay $0x4  }
0x179: {  	v31 =	vld.idx.msk [tilespmem:v12+s12+$0x0], $0xffff;
	_ =	sdelay $0x4  }
0x17a: {  	vm8 =	vle.f32 v31, v9  }
0x17b: {  	v10 =	vsel vm8, v12, v10;
	v11 =	vsel vm8, v11, v12  }
0x17c: {  	v11 =	vmin.u32 v11, $0xBE;
	_ =	sdelay $0x3  }
0x17d: {  	v32 =	vld.idx.msk [tilespmem:v10+s12+$0x0], $0xffff  }
0x17e: {  	v33 =	vld.idx.msk [tilespmem:v11+s12+$0x0], $0xffff;
	_ =	sdelay $0x4  }
0x17f: {  	v13 =	vsub.f32 v33, v32;
	_ =	sdelay $0x1  }
0x180: {  	(erf) = vrcp.f32 v13;
	_ =	sdelay $0x4  }
0x181: {  	v10 =	vld.idx.msk [tilespmem:v10+s13+$0x0], $0xffff  }
0x182: {  	v11 =	vld.idx.msk [tilespmem:v11+s13+$0x0], $0xffff;
	_ =	sdelay $0x2  }
0x183: {  	v9 =	vsub.f32 v9, v32;
	vm9 =	vlt.f32 v13, v8;
	v34 =	vpop (erf)  }
0x184: {  	v12 =	vsel vm9, v7, v34  }
0x185: {  	v11 =	vsub.f32 v11, v10;
	v9 =	vmul.f32 v12, v9;
	_ =	sdelay $0x1  }
0x186: {  	v9 =	vmul.f32 v9, v11;
	_ =	sdelay $0x1  }
0x187: {  	v9 =	vadd.f32 v9, v10;
	_ =	sdelay $0x1  }
0x188: {  	[tilespmem:s19+$0x0] =	vst v9  }
0x189: {  	v9 =	vld [tilespmem:s20+$0x10];
	_ =	sdelay $0x1  }
0x18a: {  	v35 =	vld.idx.msk [tilespmem:v3+s12+$0x0], $0xffff;
	_ =	sdelay $0x2  }
0x18b: {  	v9 =	vmul.f32 v9, v6;
	_ =	sdelay $0x1  }
0x18c: {  	vm10 =	vle.f32 v35, v9  }
0x18d: {  	v10 =	vsel vm10, $0x8F, v5;
	_ =	sdelay $0x4  }
0x18e: {  	v36 =	vld.idx.msk [tilespmem:v10+s12+$0x0], $0xffff;
	_ =	sdelay $0x4  }
0x18f: {  	v37 =	vsel vm10, $0xBF, v3;
	vm11 =	vle.f32 v36, v9  }
0x190: {  	v38 =	vsel vm10, $0x5F, v4;
	v12 =	vsel vm11, v37, v10  }
0x191: {  	v10 =	vsel vm11, v10, v38;
	v39 =	vadd.s32 $0xFFFFFFFF, v12  }
0x192: {  	v11 =	vadd.s32 v39, v10  }
0x193: {  	v11 =	vadd.s32 $0x1, v11  }
0x194: {  	v11 =	vshrl.u32 v11, $0x1;
	_ =	sdelay $0x4  }
0x195: {  	v40 =	vld.idx.msk [tilespmem:v11+s12+$0x0], $0xffff;
	_ =	sdelay $0x4  }
0x196: {  	vm12 =	vle.f32 v40, v9  }
0x197: {  	v10 =	vsel vm12, v11, v10;
	v11 =	vsel vm12, v12, v11  }
0x198: {  	v12 =	vadd.s32 v11, v10  }
0x199: {  	v12 =	vshrl.u32 v12, $0x1;
	_ =	sdelay $0x4  }
0x19a: {  	v41 =	vld.idx.msk [tilespmem:v12+s12+$0x0], $0xffff;
	_ =	sdelay $0x4  }
0x19b: {  	vm13 =	vle.f32 v41, v9  }
0x19c: {  	v10 =	vsel vm13, v12, v10;
	v11 =	vsel vm13, v11, v12  }
0x19d: {  	v12 =	vadd.s32 v11, v10  }
0x19e: {  	v12 =	vshrl.u32 v12, $0x1;
	_ =	sdelay $0x4  }
0x19f: {  	v42 =	vld.idx.msk [tilespmem:v12+s12+$0x0], $0xffff;
	_ =	sdelay $0x4  }
0x1a0: {  	vm14 =	vle.f32 v42, v9  }
0x1a1: {  	v10 =	vsel vm14, v12, v10;
	v11 =	vsel vm14, v11, v12  }
0x1a2: {  	v12 =	vadd.s32 v11, v10  }
0x1a3: {  	v12 =	vshrl.u32 v12, $0x1;
	_ =	sdelay $0x4  }
0x1a4: {  	v43 =	vld.idx.msk [tilespmem:v12+s12+$0x0], $0xffff;
	_ =	sdelay $0x4  }
0x1a5: {  	vm15 =	vle.f32 v43, v9  }
0x1a6: {  	v10 =	vsel vm15, v12, v10;
	v11 =	vsel vm15, v11, v12  }
0x1a7: {  	v12 =	vadd.s32 v11, v10  }
0x1a8: {  	v12 =	vshrl.u32 v12, $0x1;
	_ =	sdelay $0x4  }
0x1a9: {  	v44 =	vld.idx.msk [tilespmem:v12+s12+$0x0], $0xffff;
	_ =	sdelay $0x4  }
0x1aa: {  	vm4 =	vle.f32 v44, v9  }
0x1ab: {  	v10 =	vsel vm4, v12, v10;
	v11 =	vsel vm4, v11, v12  }
0x1ac: {  	v12 =	vadd.s32 v11, v10  }
0x1ad: {  	v12 =	vshrl.u32 v12, $0x1;
	_ =	sdelay $0x4  }
0x1ae: {  	v45 =	vld.idx.msk [tilespmem:v12+s12+$0x0], $0xffff;
	_ =	sdelay $0x4  }
0x1af: {  	vm5 =	vle.f32 v45, v9  }
0x1b0: {  	v10 =	vsel vm5, v12, v10;
	v11 =	vsel vm5, v11, v12  }
0x1b1: {  	v11 =	vmin.u32 v11, $0xBE;
	_ =	sdelay $0x3  }
0x1b2: {  	v46 =	vld.idx.msk [tilespmem:v10+s12+$0x0], $0xffff  }
0x1b3: {  	v47 =	vld.idx.msk [tilespmem:v11+s12+$0x0], $0xffff;
	_ =	sdelay $0x4  }
0x1b4: {  	v13 =	vsub.f32 v47, v46;
	_ =	sdelay $0x1  }
0x1b5: {  	(erf) = vrcp.f32 v13;
	_ =	sdelay $0x4  }
0x1b6: {  	v10 =	vld.idx.msk [tilespmem:v10+s13+$0x0], $0xffff  }
0x1b7: {  	v11 =	vld.idx.msk [tilespmem:v11+s13+$0x0], $0xffff;
	_ =	sdelay $0x2  }
0x1b8: {  	v9 =	vsub.f32 v9, v46;
	vm6 =	vlt.f32 v13, v8;
	v48 =	vpop (erf)  }
0x1b9: {  	v12 =	vsel vm6, v7, v48  }
0x1ba: {  	v11 =	vsub.f32 v11, v10;
	v9 =	vmul.f32 v12, v9;
	_ =	sdelay $0x1  }
0x1bb: {  	v9 =	vmul.f32 v9, v11;
	_ =	sdelay $0x1  }
0x1bc: {  	v9 =	vadd.f32 v9, v10;
	_ =	sdelay $0x1  }
0x1bd: {  	[tilespmem:s19+$0x10] =	vst v9  }
0x1be: {  	v9 =	vld [tilespmem:s20+$0x20];
	_ =	sdelay $0x1  }
0x1bf: {  	v49 =	vld.idx.msk [tilespmem:v3+s12+$0x0], $0xffff;
	_ =	sdelay $0x2  }
0x1c0: {  	v6 =	vmul.f32 v9, v6;
	_ =	sdelay $0x1  }
0x1c1: {  	vm7 =	vle.f32 v49, v6  }
0x1c2: {  	v50 =	vsel vm7, $0x8F, v5;
	_ =	sdelay $0x4  }
0x1c3: {  	v51 =	vld.idx.msk [tilespmem:v50+s12+$0x0], $0xffff;
	_ =	sdelay $0x4  }
0x1c4: {  	v52 =	vsel vm7, $0xBF, v3;
	vm8 =	vle.f32 v51, v6  }
0x1c5: {  	v53 =	vsel vm7, $0x5F, v4;
	v11 =	vsel vm8, v52, v50  }
0x1c6: {  	v9 =	vsel vm8, v50, v53;
	v54 =	vadd.s32 $0xFFFFFFFF, v11  }
0x1c7: {  	v10 =	vadd.s32 v54, v9  }
0x1c8: {  	v10 =	vadd.s32 $0x1, v10  }
0x1c9: {  	v10 =	vshrl.u32 v10, $0x1;
	_ =	sdelay $0x4  }
0x1ca: {  	v55 =	vld.idx.msk [tilespmem:v10+s12+$0x0], $0xffff;
	_ =	sdelay $0x4  }
0x1cb: {  	vm9 =	vle.f32 v55, v6  }
0x1cc: {  	v9 =	vsel vm9, v10, v9;
	v10 =	vsel vm9, v11, v10  }
0x1cd: {  	v11 =	vadd.s32 v10, v9  }
0x1ce: {  	v11 =	vshrl.u32 v11, $0x1;
	_ =	sdelay $0x4  }
0x1cf: {  	v56 =	vld.idx.msk [tilespmem:v11+s12+$0x0], $0xffff;
	_ =	sdelay $0x4  }
0x1d0: {  	vm10 =	vle.f32 v56, v6  }
0x1d1: {  	v9 =	vsel vm10, v11, v9;
	v10 =	vsel vm10, v10, v11  }
0x1d2: {  	v11 =	vadd.s32 v10, v9  }
0x1d3: {  	v11 =	vshrl.u32 v11, $0x1;
	_ =	sdelay $0x4  }
0x1d4: {  	v57 =	vld.idx.msk [tilespmem:v11+s12+$0x0], $0xffff;
	_ =	sdelay $0x4  }
0x1d5: {  	vm11 =	vle.f32 v57, v6  }
0x1d6: {  	v9 =	vsel vm11, v11, v9;
	v10 =	vsel vm11, v10, v11  }
0x1d7: {  	v11 =	vadd.s32 v10, v9  }
0x1d8: {  	v11 =	vshrl.u32 v11, $0x1;
	_ =	sdelay $0x4  }
0x1d9: {  	v58 =	vld.idx.msk [tilespmem:v11+s12+$0x0], $0xffff;
	_ =	sdelay $0x4  }
0x1da: {  	vm12 =	vle.f32 v58, v6  }
0x1db: {  	v9 =	vsel vm12, v11, v9;
	v10 =	vsel vm12, v10, v11  }
0x1dc: {  	v11 =	vadd.s32 v10, v9  }
0x1dd: {  	v11 =	vshrl.u32 v11, $0x1;
	_ =	sdelay $0x4  }
0x1de: {  	v59 =	vld.idx.msk [tilespmem:v11+s12+$0x0], $0xffff;
	_ =	sdelay $0x4  }
0x1df: {  	vm13 =	vle.f32 v59, v6  }
0x1e0: {  	v9 =	vsel vm13, v11, v9;
	v10 =	vsel vm13, v10, v11  }
0x1e1: {  	v11 =	vadd.s32 v10, v9  }
0x1e2: {  	v11 =	vshrl.u32 v11, $0x1;
	_ =	sdelay $0x4  }
0x1e3: {  	v60 =	vld.idx.msk [tilespmem:v11+s12+$0x0], $0xffff;
	_ =	sdelay $0x4  }
0x1e4: {  	vm14 =	vle.f32 v60, v6  }
0x1e5: {  	v9 =	vsel vm14, v11, v9;
	v10 =	vsel vm14, v10, v11  }
0x1e6: {  	v10 =	vmin.u32 v10, $0xBE;
	_ =	sdelay $0x3  }
0x1e7: {  	v61 =	vld.idx.msk [tilespmem:v9+s12+$0x0], $0xffff  }
0x1e8: {  	v62 =	vld.idx.msk [tilespmem:v10+s12+$0x0], $0xffff;
	_ =	sdelay $0x4  }
0x1e9: {  	v12 =	vsub.f32 v62, v61;
	_ =	sdelay $0x1  }
0x1ea: {  	(erf) = vrcp.f32 v12;
	_ =	sdelay $0x4  }
0x1eb: {  	v9 =	vld.idx.msk [tilespmem:v9+s13+$0x0], $0xffff  }
0x1ec: {  	v10 =	vld.idx.msk [tilespmem:v10+s13+$0x0], $0xffff;
	_ =	sdelay $0x2  }
0x1ed: {  	v6 =	vsub.f32 v6, v61;
	vm15 =	vlt.f32 v12, v8;
	v63 =	vpop (erf)  }
0x1ee: {  	v7 =	vsel vm15, v7, v63  }
0x1ef: {  	v6 =	vmul.f32 v7, v6;
	v7 =	vsub.f32 v10, v9  }
0x1f0: {  	p0 =	sne.s32 s21, $0xF00  }
.Ltmp0:
0x1f1: {  	v6 =	vmul.f32 v6, v7;
	(pc) =	sbr.rel @p0 .LBB2_3-.Ltmp0, $4  }
0x1f2: {  	_ = 	snop  }
0x1f3: {  	v6 =	vadd.f32 v6, v9  }
0x1f4: {  	s17 =	sadd.s32 $0x80, s17  }
0x1f5: {  	s21 =	sadd.s32 $0x100, s21;
	s20 =	sadd.s32 $0x80, s20;
	[tilespmem:s19+$0x20] =	vst v6;
	s19 =	sadd.s32 $0x80, s19  }
0x1f6: {  	s16 =	sadd.s32 $0x1, s16  }
0x1f7: {  	p0 =	sne.s32 s16, $0x80  }
.Ltmp1:
0x1f8: {  	s17 =	sadd.s32 s6, s18;
	(pc) =	sbr.rel @p0 .LBB2_2-.Ltmp1, $4  }
0x1f9: {  	[hbm4b:s17+s1] =	stream.linear.scatter [tilespmem:s14], [sflag:$0x1], $0x800, $0x38;
	[tilespmem:$0x3200] =	vst v63  }
0x1fa: {  	_ =	swait.ge [sflag:s9], $0x800  }
0x1fb: {  	[sflag:s9] =	ssyncset.done $0x0  }
0x1fc: {  	[sflag:s9] =	ssyncadd.s32 $0xFFFFF800  }
0x1fd: {  	s15 =	sadd.s32 $0x1, s15  }
0x1fe: {  	p0 =	sne.s32 s15, s8  }
.Ltmp2:
0x1ff: {  	_ = 	snop;
	(pc) =	sbr.rel @p0 .LBB2_1-.Ltmp2, $1  }
0x200: {  	_ =	sdelay $0x3  }
0x201: {  	_ =	sfence.sel $0x180000  }
0x202: {  	[bflag:$0x0] =	sbarrier.arrive $0xFFFF  }
0x203: {  	p0 =	sne.s32 s5, $0x0;
	_ =	strace $0x90000047  }
0x204: {  	s0 =	sadd.s32 @!p0 $0x100000, s0;
	[bflag:$0x2] =	sbarrier.arrive $0xFFFF  }
0x205: {  	[sflag:s0] =	ssyncadd.tile.s32 @!p0 $0x1;
	_ =	shalt  }
.Lfunc_end2:
_tile_overlayer_lowered:
.L_overlay_start_2:
0x206: {  	(tag) =	ssettag $0x2  }
0x207: {  	s0 =	rddreg [dreg:$0x0];
	s2 =	stileid.u32  }
0x208: {  	s1 =	rddreg [dreg:$0x1];
	p0 =	sne.s32 s2, $0x0  }
0x209: {  	s3 =	rddreg [dreg:$0x2];
	[bflag:$0x3] =	sbarrier.arrive $0xFFFF;
	s2 =	simm.s32 @!p0 $0x1C01  }
0x20a: {  	[timem:s3], [sflag:s2] =	dma.local @!p0 [hbm:s0], s1  }
0x20b: {  	s0 =	simm.s32 @!p0 $0x1  }
0x20c: {  	_ =	swait.ge @!p0 [sflag:s0], s1  }
0x20d: {  	s1 =	ssub.s32 @!p0 $0x0, s1;
	[sflag:s0] =	ssyncset.done @!p0 $0x0  }
0x20e: {  	[sflag:s0] =	ssyncadd.s32 @!p0 s1  }
0x20f: {  	[bflag:$0x3] =	sbarrier.arrive $0xFFFF  }
0x210: {  	_ =	shalt  }

</sc_bundles>
